<compile_context>
chip_gen: v7x
topology: tpu7x:2x2x1
jax: 0.10.2.dev20260603
libtpu: 0.0.44.dev20260713+nightly
codegen_flags: <defaults>
</compile_context>

<pallas_src>
import functools

import jax
import jax.numpy as jnp
from jax import lax
from jax.experimental import pallas as pl
from jax.experimental.pallas import tpu as pltpu
from jax.experimental.pallas import tpu_sc as plsc

VOCAB = 1000000
D = 32
BATCH = 4096
SEQ = 200

NC = 2
NS = 16
NW = NC * NS
BW = BATCH // NW
NB = 4
NCHUNK = BW // NB
HALVES = ((0, 128), (128, 72))
NBUF = 4


def _make_gather():
    mesh = plsc.VectorSubcoreMesh(core_axis_name="c", subcore_axis_name="s")

    @functools.partial(
        pl.kernel,
        mesh=mesh,
        compiler_params=pltpu.CompilerParams(use_tc_tiling_on_sc=False),
        out_type=jax.ShapeDtypeStruct((BATCH * SEQ, 4 * D), jnp.float32),
        scratch_types=[
            pltpu.VMEM((BW, SEQ), jnp.int32),
            pltpu.VMEM((NBUF, NB * SEQ, D), jnp.float32),
            [pltpu.SemaphoreType.DMA] * NBUF,
            [pltpu.SemaphoreType.DMA] * NBUF,
        ],
    )
    def gather(idx_hbm, table_hbm, out_hbm, idx_v, stage_v, gsems, osems):
        wid = lax.axis_index("s") * NC + lax.axis_index("c")
        pltpu.sync_copy(idx_hbm.at[wid], idx_v)

        def gather_copies(c, slot):
            out = []
            for i in range(NB):
                for off, width in HALVES:
                    out.append(
                        pltpu.make_async_copy(
                            table_hbm.at[
                                idx_v.at[c * NB + i, pl.ds(off, width)]
                            ],
                            stage_v.at[slot, pl.ds(i * SEQ + off, width)],
                            gsems[slot],
                        )
                    )
            return out

        def out_copy(c, slot):
            base = (wid * BW + c * NB) * SEQ
            return pltpu.make_async_copy(
                stage_v.at[slot],
                out_hbm.at[pl.ds(base, NB * SEQ), pl.ds(0, D)],
                osems[slot],
            )

        for c0 in range(2):
            for g in gather_copies(c0, c0):
                g.start()

        def outer(o, carry):
            for b in range(NBUF):
                c = NBUF * o + b
                for g in gather_copies(c, b):
                    g.wait()
                out_copy(c, b).start()
                nxt = (b + 2) % NBUF
                @pl.when(c >= 2)
                def _():
                    out_copy(c - 2, nxt).wait()
                @pl.when(c + 2 < NCHUNK)
                def _():
                    for g in gather_copies(c + 2, nxt):
                        g.start()
            return carry

        lax.fori_loop(0, NCHUNK // NBUF, outer, 0)
        for c0 in range(NCHUNK - 2, NCHUNK):
            out_copy(c0, c0 % NBUF).wait()

    return gather


_gather = _make_gather()


def kernel(sentence, table):
    idx = sentence.astype(jnp.int32).reshape(NW, BW, SEQ)
    out = _gather(idx, table)
    return out[:, :D].reshape(BATCH, SEQ, D)

# --- scband reference (transcript-rebuilt; emitter-appended) ---
"""Pipeline reference for scband-pretrained-embedding-layer-867583394445 (READ-ONLY COPY).

The authoritative reference and input builder live on the scoring server;
editing this copy changes nothing except your own understanding.
"""

import jax, jax.numpy as jnp
import numpy as np

VOCAB = 1000000
EMBED_DIM = 32
BATCH = 4096
SEQ = 200

def setup_inputs(seed: int = 0) -> dict:
    key = jax.random.key(seed)
    k_tab, k_idx = jax.random.split(key)
    # Pretrained word-vector table (stands in for word_vectors.vectors)
    table = jax.random.normal(k_tab, (VOCAB, EMBED_DIM), dtype=jnp.float32) * 0.02
    sentence = jax.random.randint(k_idx, (BATCH, SEQ), 0, VOCAB, dtype=jnp.int64)
    return {"sentence": sentence, "table": table}

def reference(sentence, table):
    # Faithful translation of PretrainedEmbeddingLayer.forward:
    # the per-row validity check is a no-op debug print (indices are in-range
    # by construction), so the computation is the embedding gather.
    return jnp.take(table, sentence, axis=0)

if __name__ == "__main__":
    import jax
    _d = setup_inputs()
    print(jax.jit(kernel)(*tuple(_d.values())))

</pallas_src>

<mosaic_0001>
#map = affine_map<(d0, d1) -> (0, 0, 0)>
#map1 = affine_map<(d0, d1) -> (0, 0)>
module attributes {stable_mosaic.version = 14 : i64} {
  func.func @gather(%arg0: i32, %arg1: i32, %arg2: memref<32x128x200xi32, #tpu.memory_space<hbm>>, %arg3: memref<1000000x32xf32, #tpu.memory_space<hbm>>, %arg4: memref<819200x128xf32, #tpu.memory_space<hbm>>, %arg5: memref<128x200xi32, #tpu.memory_space<vmem>>, %arg6: memref<4x800x32xf32, #tpu.memory_space<vmem>>, %arg7: memref<!tpu.dma_semaphore, #tpu.memory_space<semaphore_mem>>, %arg8: memref<!tpu.dma_semaphore, #tpu.memory_space<semaphore_mem>>, %arg9: memref<!tpu.dma_semaphore, #tpu.memory_space<semaphore_mem>>, %arg10: memref<!tpu.dma_semaphore, #tpu.memory_space<semaphore_mem>>, %arg11: memref<!tpu.dma_semaphore, #tpu.memory_space<semaphore_mem>>, %arg12: memref<!tpu.dma_semaphore, #tpu.memory_space<semaphore_mem>>, %arg13: memref<!tpu.dma_semaphore, #tpu.memory_space<semaphore_mem>>, %arg14: memref<!tpu.dma_semaphore, #tpu.memory_space<semaphore_mem>>) attributes {dimension_semantics = [#tpu.dimension_semantics<core_parallel>, #tpu.dimension_semantics<subcore_parallel>], iteration_bounds = array<i64: 2, 16>, scalar_prefetch = 0 : i64, scratch_operands = 10 : i64, tpu.core_type = #tpu.core_type<sc_vector_subcore>, window_params = [{transform_indices = #map}, {transform_indices = #map1}, {transform_indices = #map1}]} {
    %mul3A = arith.constant 2 : i32
    %mul3A_0 = arith.muli %arg1, %mul3A : i32
    %add3A = arith.addi %mul3A_0, %arg0 : i32
    "tpu.region"() ({
      %run_scoped3A = tpu.sem_alloc : memref<!tpu.dma_semaphore, #tpu.memory_space<semaphore_mem>>
      %dma_start3A_234 = arith.constant 0 : i32
      %dma_start3A_235 = arith.constant 0 : i32
      %dma_start3A_236 = tpu.memref_slice %arg2[%add3A, %dma_start3A_234, %dma_start3A_235] : memref<32x128x200xi32, #tpu.memory_space<hbm>> -> memref<1x128x200xi32, #tpu.memory_space<hbm>>
      %dma_start3A_237 = tpu.memref_squeeze %dma_start3A_236 : memref<1x128x200xi32, #tpu.memory_space<hbm>> -> memref<128x200xi32, #tpu.memory_space<hbm>>
      %dma_start3A_238 = arith.constant 0 : i32
      %dma_start3A_239 = arith.constant 0 : i32
      %dma_start3A_240 = tpu.memref_slice %arg2[%add3A, %dma_start3A_238, %dma_start3A_239] : memref<32x128x200xi32, #tpu.memory_space<hbm>> -> memref<1x128x200xi32, #tpu.memory_space<hbm>>
      %dma_start3A_241 = tpu.memref_squeeze %dma_start3A_240 : memref<1x128x200xi32, #tpu.memory_space<hbm>> -> memref<128x200xi32, #tpu.memory_space<hbm>>
      tpu.enqueue_dma source(%dma_start3A_241 : memref<128x200xi32, #tpu.memory_space<hbm>>) target(%arg5 : memref<128x200xi32, #tpu.memory_space<vmem>>) target_semaphore(%run_scoped3A : memref<!tpu.dma_semaphore, #tpu.memory_space<semaphore_mem>>)
      %dma_wait3A_242 = arith.constant 0 : i32
      %dma_wait3A_243 = arith.constant 0 : i32
      %dma_wait3A_244 = tpu.memref_slice %arg2[%add3A, %dma_wait3A_242, %dma_wait3A_243] : memref<32x128x200xi32, #tpu.memory_space<hbm>> -> memref<1x128x200xi32, #tpu.memory_space<hbm>>
      %dma_wait3A_245 = tpu.memref_squeeze %dma_wait3A_244 : memref<1x128x200xi32, #tpu.memory_space<hbm>> -> memref<128x200xi32, #tpu.memory_space<hbm>>
      %dma_wait3A_246 = arith.constant 0 : i32
      %dma_wait3A_247 = arith.constant 0 : i32
      %dma_wait3A_248 = tpu.memref_slice %arg2[%add3A, %dma_wait3A_246, %dma_wait3A_247] : memref<32x128x200xi32, #tpu.memory_space<hbm>> -> memref<1x128x200xi32, #tpu.memory_space<hbm>>
      %dma_wait3A_249 = tpu.memref_squeeze %dma_wait3A_248 : memref<1x128x200xi32, #tpu.memory_space<hbm>> -> memref<128x200xi32, #tpu.memory_space<hbm>>
      tpu.wait_dma2 semaphore(%run_scoped3A : memref<!tpu.dma_semaphore, #tpu.memory_space<semaphore_mem>>) src(%dma_wait3A_249 : memref<128x200xi32, #tpu.memory_space<hbm>>) dst(%arg5 : memref<128x200xi32, #tpu.memory_space<vmem>>)
      tpu.yield
    }) : () -> ()
    %dma_start3A = arith.constant 0 : i32
    %dma_start3A_1 = arith.constant 0 : i32
    %dma_start3A_2 = arith.constant 0 : i32
    %dma_start3A_3 = arith.constant 0 : i32
    %dma_start3A_4 = tpu.memref_slice %arg6[%dma_start3A_1, %dma_start3A_2, %dma_start3A_3] : memref<4x800x32xf32, #tpu.memory_space<vmem>> -> memref<1x128x32xf32, #tpu.memory_space<vmem>>
    %dma_start3A_5 = tpu.memref_squeeze %dma_start3A_4 : memref<1x128x32xf32, #tpu.memory_space<vmem>> -> memref<128x32xf32, #tpu.memory_space<vmem>>
    %dma_start3A_6 = arith.constant 0 : i32
    %dma_start3A_7 = tpu.memref_slice %arg5[%dma_start3A, %dma_start3A_6] : memref<128x200xi32, #tpu.memory_space<vmem>> -> memref<1x128xi32, #tpu.memory_space<vmem>>
    %dma_start3A_8 = tpu.memref_squeeze %dma_start3A_7 : memref<1x128xi32, #tpu.memory_space<vmem>> -> memref<128xi32, #tpu.memory_space<vmem>>
    %dma_start3A_9 = arith.constant 0 : i32
    %dma_start3A_10 = arith.constant 0 : i32
    %dma_start3A_11 = tpu.memref_slice %arg3[%dma_start3A_9, %dma_start3A_10] : memref<1000000x32xf32, #tpu.memory_space<hbm>> -> memref<1000000x32xf32, #tpu.memory_space<hbm>>
    tpu.enqueue_indirect_dma source(%dma_start3A_11 : memref<1000000x32xf32, #tpu.memory_space<hbm>>) target(%dma_start3A_5 : memref<128x32xf32, #tpu.memory_space<vmem>>) offsets(%dma_start3A_8 : memref<128xi32, #tpu.memory_space<vmem>>) semaphore(%arg7 : memref<!tpu.dma_semaphore, #tpu.memory_space<semaphore_mem>>)
    %dma_start3A_12 = arith.constant 0 : i32
    %dma_start3A_13 = arith.constant 0 : i32
    %dma_start3A_14 = arith.constant 128 : i32
    %dma_start3A_15 = arith.constant 0 : i32
    %dma_start3A_16 = tpu.memref_slice %arg6[%dma_start3A_13, %dma_start3A_14, %dma_start3A_15] : memref<4x800x32xf32, #tpu.memory_space<vmem>> -> memref<1x72x32xf32, #tpu.memory_space<vmem>>
    %dma_start3A_17 = tpu.memref_squeeze %dma_start3A_16 : memref<1x72x32xf32, #tpu.memory_space<vmem>> -> memref<72x32xf32, #tpu.memory_space<vmem>>
    %dma_start3A_18 = arith.constant 128 : i32
    %dma_start3A_19 = tpu.memref_slice %arg5[%dma_start3A_12, %dma_start3A_18] : memref<128x200xi32, #tpu.memory_space<vmem>> -> memref<1x72xi32, #tpu.memory_space<vmem>>
    %dma_start3A_20 = tpu.memref_squeeze %dma_start3A_19 : memref<1x72xi32, #tpu.memory_space<vmem>> -> memref<72xi32, #tpu.memory_space<vmem>>
    %dma_start3A_21 = arith.constant 0 : i32
    %dma_start3A_22 = arith.constant 0 : i32
    %dma_start3A_23 = tpu.memref_slice %arg3[%dma_start3A_21, %dma_start3A_22] : memref<1000000x32xf32, #tpu.memory_space<hbm>> -> memref<1000000x32xf32, #tpu.memory_space<hbm>>
    tpu.enqueue_indirect_dma source(%dma_start3A_23 : memref<1000000x32xf32, #tpu.memory_space<hbm>>) target(%dma_start3A_17 : memref<72x32xf32, #tpu.memory_space<vmem>>) offsets(%dma_start3A_20 : memref<72xi32, #tpu.memory_space<vmem>>) semaphore(%arg7 : memref<!tpu.dma_semaphore, #tpu.memory_space<semaphore_mem>>)
    %dma_start3A_24 = arith.constant 1 : i32
    %dma_start3A_25 = arith.constant 0 : i32
    %dma_start3A_26 = arith.constant 200 : i32
    %dma_start3A_27 = arith.constant 0 : i32
    %dma_start3A_28 = tpu.memref_slice %arg6[%dma_start3A_25, %dma_start3A_26, %dma_start3A_27] : memref<4x800x32xf32, #tpu.memory_space<vmem>> -> memref<1x128x32xf32, #tpu.memory_space<vmem>>
    %dma_start3A_29 = tpu.memref_squeeze %dma_start3A_28 : memref<1x128x32xf32, #tpu.memory_space<vmem>> -> memref<128x32xf32, #tpu.memory_space<vmem>>
    %dma_start3A_30 = arith.constant 0 : i32
    %dma_start3A_31 = tpu.memref_slice %arg5[%dma_start3A_24, %dma_start3A_30] : memref<128x200xi32, #tpu.memory_space<vmem>> -> memref<1x128xi32, #tpu.memory_space<vmem>>
    %dma_start3A_32 = tpu.memref_squeeze %dma_start3A_31 : memref<1x128xi32, #tpu.memory_space<vmem>> -> memref<128xi32, #tpu.memory_space<vmem>>
    %dma_start3A_33 = arith.constant 0 : i32
    %dma_start3A_34 = arith.constant 0 : i32
    %dma_start3A_35 = tpu.memref_slice %arg3[%dma_start3A_33, %dma_start3A_34] : memref<1000000x32xf32, #tpu.memory_space<hbm>> -> memref<1000000x32xf32, #tpu.memory_space<hbm>>
    tpu.enqueue_indirect_dma source(%dma_start3A_35 : memref<1000000x32xf32, #tpu.memory_space<hbm>>) target(%dma_start3A_29 : memref<128x32xf32, #tpu.memory_space<vmem>>) offsets(%dma_start3A_32 : memref<128xi32, #tpu.memory_space<vmem>>) semaphore(%arg7 : memref<!tpu.dma_semaphore, #tpu.memory_space<semaphore_mem>>)
    %dma_start3A_36 = arith.constant 1 : i32
    %dma_start3A_37 = arith.constant 0 : i32
    %dma_start3A_38 = arith.constant 328 : i32
    %dma_start3A_39 = arith.constant 0 : i32
    %dma_start3A_40 = tpu.memref_slice %arg6[%dma_start3A_37, %dma_start3A_38, %dma_start3A_39] : memref<4x800x32xf32, #tpu.memory_space<vmem>> -> memref<1x72x32xf32, #tpu.memory_space<vmem>>
    %dma_start3A_41 = tpu.memref_squeeze %dma_start3A_40 : memref<1x72x32xf32, #tpu.memory_space<vmem>> -> memref<72x32xf32, #tpu.memory_space<vmem>>
    %dma_start3A_42 = arith.constant 128 : i32
    %dma_start3A_43 = tpu.memref_slice %arg5[%dma_start3A_36, %dma_start3A_42] : memref<128x200xi32, #tpu.memory_space<vmem>> -> memref<1x72xi32, #tpu.memory_space<vmem>>
    %dma_start3A_44 = tpu.memref_squeeze %dma_start3A_43 : memref<1x72xi32, #tpu.memory_space<vmem>> -> memref<72xi32, #tpu.memory_space<vmem>>
    %dma_start3A_45 = arith.constant 0 : i32
    %dma_start3A_46 = arith.constant 0 : i32
    %dma_start3A_47 = tpu.memref_slice %arg3[%dma_start3A_45, %dma_start3A_46] : memref<1000000x32xf32, #tpu.memory_space<hbm>> -> memref<1000000x32xf32, #tpu.memory_space<hbm>>
    tpu.enqueue_indirect_dma source(%dma_start3A_47 : memref<1000000x32xf32, #tpu.memory_space<hbm>>) target(%dma_start3A_41 : memref<72x32xf32, #tpu.memory_space<vmem>>) offsets(%dma_start3A_44 : memref<72xi32, #tpu.memory_space<vmem>>) semaphore(%arg7 : memref<!tpu.dma_semaphore, #tpu.memory_space<semaphore_mem>>)
    %dma_start3A_48 = arith.constant 2 : i32
    %dma_start3A_49 = arith.constant 0 : i32
    %dma_start3A_50 = arith.constant 400 : i32
    %dma_start3A_51 = arith.constant 0 : i32
    %dma_start3A_52 = tpu.memref_slice %arg6[%dma_start3A_49, %dma_start3A_50, %dma_start3A_51] : memref<4x800x32xf32, #tpu.memory_space<vmem>> -> memref<1x128x32xf32, #tpu.memory_space<vmem>>
    %dma_start3A_53 = tpu.memref_squeeze %dma_start3A_52 : memref<1x128x32xf32, #tpu.memory_space<vmem>> -> memref<128x32xf32, #tpu.memory_space<vmem>>
    %dma_start3A_54 = arith.constant 0 : i32
    %dma_start3A_55 = tpu.memref_slice %arg5[%dma_start3A_48, %dma_start3A_54] : memref<128x200xi32, #tpu.memory_space<vmem>> -> memref<1x128xi32, #tpu.memory_space<vmem>>
    %dma_start3A_56 = tpu.memref_squeeze %dma_start3A_55 : memref<1x128xi32, #tpu.memory_space<vmem>> -> memref<128xi32, #tpu.memory_space<vmem>>
    %dma_start3A_57 = arith.constant 0 : i32
    %dma_start3A_58 = arith.constant 0 : i32
    %dma_start3A_59 = tpu.memref_slice %arg3[%dma_start3A_57, %dma_start3A_58] : memref<1000000x32xf32, #tpu.memory_space<hbm>> -> memref<1000000x32xf32, #tpu.memory_space<hbm>>
    tpu.enqueue_indirect_dma source(%dma_start3A_59 : memref<1000000x32xf32, #tpu.memory_space<hbm>>) target(%dma_start3A_53 : memref<128x32xf32, #tpu.memory_space<vmem>>) offsets(%dma_start3A_56 : memref<128xi32, #tpu.memory_space<vmem>>) semaphore(%arg7 : memref<!tpu.dma_semaphore, #tpu.memory_space<semaphore_mem>>)
    %dma_start3A_60 = arith.constant 2 : i32
    %dma_start3A_61 = arith.constant 0 : i32
    %dma_start3A_62 = arith.constant 528 : i32
    %dma_start3A_63 = arith.constant 0 : i32
    %dma_start3A_64 = tpu.memref_slice %arg6[%dma_start3A_61, %dma_start3A_62, %dma_start3A_63] : memref<4x800x32xf32, #tpu.memory_space<vmem>> -> memref<1x72x32xf32, #tpu.memory_space<vmem>>
    %dma_start3A_65 = tpu.memref_squeeze %dma_start3A_64 : memref<1x72x32xf32, #tpu.memory_space<vmem>> -> memref<72x32xf32, #tpu.memory_space<vmem>>
    %dma_start3A_66 = arith.constant 128 : i32
    %dma_start3A_67 = tpu.memref_slice %arg5[%dma_start3A_60, %dma_start3A_66] : memref<128x200xi32, #tpu.memory_space<vmem>> -> memref<1x72xi32, #tpu.memory_space<vmem>>
    %dma_start3A_68 = tpu.memref_squeeze %dma_start3A_67 : memref<1x72xi32, #tpu.memory_space<vmem>> -> memref<72xi32, #tpu.memory_space<vmem>>
    %dma_start3A_69 = arith.constant 0 : i32
    %dma_start3A_70 = arith.constant 0 : i32
    %dma_start3A_71 = tpu.memref_slice %arg3[%dma_start3A_69, %dma_start3A_70] : memref<1000000x32xf32, #tpu.memory_space<hbm>> -> memref<1000000x32xf32, #tpu.memory_space<hbm>>
    tpu.enqueue_indirect_dma source(%dma_start3A_71 : memref<1000000x32xf32, #tpu.memory_space<hbm>>) target(%dma_start3A_65 : memref<72x32xf32, #tpu.memory_space<vmem>>) offsets(%dma_start3A_68 : memref<72xi32, #tpu.memory_space<vmem>>) semaphore(%arg7 : memref<!tpu.dma_semaphore, #tpu.memory_space<semaphore_mem>>)
    %dma_start3A_72 = arith.constant 3 : i32
    %dma_start3A_73 = arith.constant 0 : i32
    %dma_start3A_74 = arith.constant 600 : i32
    %dma_start3A_75 = arith.constant 0 : i32
    %dma_start3A_76 = tpu.memref_slice %arg6[%dma_start3A_73, %dma_start3A_74, %dma_start3A_75] : memref<4x800x32xf32, #tpu.memory_space<vmem>> -> memref<1x128x32xf32, #tpu.memory_space<vmem>>
    %dma_start3A_77 = tpu.memref_squeeze %dma_start3A_76 : memref<1x128x32xf32, #tpu.memory_space<vmem>> -> memref<128x32xf32, #tpu.memory_space<vmem>>
    %dma_start3A_78 = arith.constant 0 : i32
    %dma_start3A_79 = tpu.memref_slice %arg5[%dma_start3A_72, %dma_start3A_78] : memref<128x200xi32, #tpu.memory_space<vmem>> -> memref<1x128xi32, #tpu.memory_space<vmem>>
    %dma_start3A_80 = tpu.memref_squeeze %dma_start3A_79 : memref<1x128xi32, #tpu.memory_space<vmem>> -> memref<128xi32, #tpu.memory_space<vmem>>
    %dma_start3A_81 = arith.constant 0 : i32
    %dma_start3A_82 = arith.constant 0 : i32
    %dma_start3A_83 = tpu.memref_slice %arg3[%dma_start3A_81, %dma_start3A_82] : memref<1000000x32xf32, #tpu.memory_space<hbm>> -> memref<1000000x32xf32, #tpu.memory_space<hbm>>
    tpu.enqueue_indirect_dma source(%dma_start3A_83 : memref<1000000x32xf32, #tpu.memory_space<hbm>>) target(%dma_start3A_77 : memref<128x32xf32, #tpu.memory_space<vmem>>) offsets(%dma_start3A_80 : memref<128xi32, #tpu.memory_space<vmem>>) semaphore(%arg7 : memref<!tpu.dma_semaphore, #tpu.memory_space<semaphore_mem>>)
    %dma_start3A_84 = arith.constant 3 : i32
    %dma_start3A_85 = arith.constant 0 : i32
    %dma_start3A_86 = arith.constant 728 : i32
    %dma_start3A_87 = arith.constant 0 : i32
    %dma_start3A_88 = tpu.memref_slice %arg6[%dma_start3A_85, %dma_start3A_86, %dma_start3A_87] : memref<4x800x32xf32, #tpu.memory_space<vmem>> -> memref<1x72x32xf32, #tpu.memory_space<vmem>>
    %dma_start3A_89 = tpu.memref_squeeze %dma_start3A_88 : memref<1x72x32xf32, #tpu.memory_space<vmem>> -> memref<72x32xf32, #tpu.memory_space<vmem>>
    %dma_start3A_90 = arith.constant 128 : i32
    %dma_start3A_91 = tpu.memref_slice %arg5[%dma_start3A_84, %dma_start3A_90] : memref<128x200xi32, #tpu.memory_space<vmem>> -> memref<1x72xi32, #tpu.memory_space<vmem>>
    %dma_start3A_92 = tpu.memref_squeeze %dma_start3A_91 : memref<1x72xi32, #tpu.memory_space<vmem>> -> memref<72xi32, #tpu.memory_space<vmem>>
    %dma_start3A_93 = arith.constant 0 : i32
    %dma_start3A_94 = arith.constant 0 : i32
    %dma_start3A_95 = tpu.memref_slice %arg3[%dma_start3A_93, %dma_start3A_94] : memref<1000000x32xf32, #tpu.memory_space<hbm>> -> memref<1000000x32xf32, #tpu.memory_space<hbm>>
    tpu.enqueue_indirect_dma source(%dma_start3A_95 : memref<1000000x32xf32, #tpu.memory_space<hbm>>) target(%dma_start3A_89 : memref<72x32xf32, #tpu.memory_space<vmem>>) offsets(%dma_start3A_92 : memref<72xi32, #tpu.memory_space<vmem>>) semaphore(%arg7 : memref<!tpu.dma_semaphore, #tpu.memory_space<semaphore_mem>>)
    %dma_start3A_96 = arith.constant 4 : i32
    %dma_start3A_97 = arith.constant 1 : i32
    %dma_start3A_98 = arith.constant 0 : i32
    %dma_start3A_99 = arith.constant 0 : i32
    %dma_start3A_100 = tpu.memref_slice %arg6[%dma_start3A_97, %dma_start3A_98, %dma_start3A_99] : memref<4x800x32xf32, #tpu.memory_space<vmem>> -> memref<1x128x32xf32, #tpu.memory_space<vmem>>
    %dma_start3A_101 = tpu.memref_squeeze %dma_start3A_100 : memref<1x128x32xf32, #tpu.memory_space<vmem>> -> memref<128x32xf32, #tpu.memory_space<vmem>>
    %dma_start3A_102 = arith.constant 0 : i32
    %dma_start3A_103 = tpu.memref_slice %arg5[%dma_start3A_96, %dma_start3A_102] : memref<128x200xi32, #tpu.memory_space<vmem>> -> memref<1x128xi32, #tpu.memory_space<vmem>>
    %dma_start3A_104 = tpu.memref_squeeze %dma_start3A_103 : memref<1x128xi32, #tpu.memory_space<vmem>> -> memref<128xi32, #tpu.memory_space<vmem>>
    %dma_start3A_105 = arith.constant 0 : i32
    %dma_start3A_106 = arith.constant 0 : i32
    %dma_start3A_107 = tpu.memref_slice %arg3[%dma_start3A_105, %dma_start3A_106] : memref<1000000x32xf32, #tpu.memory_space<hbm>> -> memref<1000000x32xf32, #tpu.memory_space<hbm>>
    tpu.enqueue_indirect_dma source(%dma_start3A_107 : memref<1000000x32xf32, #tpu.memory_space<hbm>>) target(%dma_start3A_101 : memref<128x32xf32, #tpu.memory_space<vmem>>) offsets(%dma_start3A_104 : memref<128xi32, #tpu.memory_space<vmem>>) semaphore(%arg8 : memref<!tpu.dma_semaphore, #tpu.memory_space<semaphore_mem>>)
    %dma_start3A_108 = arith.constant 4 : i32
    %dma_start3A_109 = arith.constant 1 : i32
    %dma_start3A_110 = arith.constant 128 : i32
    %dma_start3A_111 = arith.constant 0 : i32
    %dma_start3A_112 = tpu.memref_slice %arg6[%dma_start3A_109, %dma_start3A_110, %dma_start3A_111] : memref<4x800x32xf32, #tpu.memory_space<vmem>> -> memref<1x72x32xf32, #tpu.memory_space<vmem>>
    %dma_start3A_113 = tpu.memref_squeeze %dma_start3A_112 : memref<1x72x32xf32, #tpu.memory_space<vmem>> -> memref<72x32xf32, #tpu.memory_space<vmem>>
    %dma_start3A_114 = arith.constant 128 : i32
    %dma_start3A_115 = tpu.memref_slice %arg5[%dma_start3A_108, %dma_start3A_114] : memref<128x200xi32, #tpu.memory_space<vmem>> -> memref<1x72xi32, #tpu.memory_space<vmem>>
    %dma_start3A_116 = tpu.memref_squeeze %dma_start3A_115 : memref<1x72xi32, #tpu.memory_space<vmem>> -> memref<72xi32, #tpu.memory_space<vmem>>
    %dma_start3A_117 = arith.constant 0 : i32
    %dma_start3A_118 = arith.constant 0 : i32
    %dma_start3A_119 = tpu.memref_slice %arg3[%dma_start3A_117, %dma_start3A_118] : memref<1000000x32xf32, #tpu.memory_space<hbm>> -> memref<1000000x32xf32, #tpu.memory_space<hbm>>
    tpu.enqueue_indirect_dma source(%dma_start3A_119 : memref<1000000x32xf32, #tpu.memory_space<hbm>>) target(%dma_start3A_113 : memref<72x32xf32, #tpu.memory_space<vmem>>) offsets(%dma_start3A_116 : memref<72xi32, #tpu.memory_space<vmem>>) semaphore(%arg8 : memref<!tpu.dma_semaphore, #tpu.memory_space<semaphore_mem>>)
    %dma_start3A_120 = arith.constant 5 : i32
    %dma_start3A_121 = arith.constant 1 : i32
    %dma_start3A_122 = arith.constant 200 : i32
    %dma_start3A_123 = arith.constant 0 : i32
    %dma_start3A_124 = tpu.memref_slice %arg6[%dma_start3A_121, %dma_start3A_122, %dma_start3A_123] : memref<4x800x32xf32, #tpu.memory_space<vmem>> -> memref<1x128x32xf32, #tpu.memory_space<vmem>>
    %dma_start3A_125 = tpu.memref_squeeze %dma_start3A_124 : memref<1x128x32xf32, #tpu.memory_space<vmem>> -> memref<128x32xf32, #tpu.memory_space<vmem>>
    %dma_start3A_126 = arith.constant 0 : i32
    %dma_start3A_127 = tpu.memref_slice %arg5[%dma_start3A_120, %dma_start3A_126] : memref<128x200xi32, #tpu.memory_space<vmem>> -> memref<1x128xi32, #tpu.memory_space<vmem>>
    %dma_start3A_128 = tpu.memref_squeeze %dma_start3A_127 : memref<1x128xi32, #tpu.memory_space<vmem>> -> memref<128xi32, #tpu.memory_space<vmem>>
    %dma_start3A_129 = arith.constant 0 : i32
    %dma_start3A_130 = arith.constant 0 : i32
    %dma_start3A_131 = tpu.memref_slice %arg3[%dma_start3A_129, %dma_start3A_130] : memref<1000000x32xf32, #tpu.memory_space<hbm>> -> memref<1000000x32xf32, #tpu.memory_space<hbm>>
    tpu.enqueue_indirect_dma source(%dma_start3A_131 : memref<1000000x32xf32, #tpu.memory_space<hbm>>) target(%dma_start3A_125 : memref<128x32xf32, #tpu.memory_space<vmem>>) offsets(%dma_start3A_128 : memref<128xi32, #tpu.memory_space<vmem>>) semaphore(%arg8 : memref<!tpu.dma_semaphore, #tpu.memory_space<semaphore_mem>>)
    %dma_start3A_132 = arith.constant 5 : i32
    %dma_start3A_133 = arith.constant 1 : i32
    %dma_start3A_134 = arith.constant 328 : i32
    %dma_start3A_135 = arith.constant 0 : i32
    %dma_start3A_136 = tpu.memref_slice %arg6[%dma_start3A_133, %dma_start3A_134, %dma_start3A_135] : memref<4x800x32xf32, #tpu.memory_space<vmem>> -> memref<1x72x32xf32, #tpu.memory_space<vmem>>
    %dma_start3A_137 = tpu.memref_squeeze %dma_start3A_136 : memref<1x72x32xf32, #tpu.memory_space<vmem>> -> memref<72x32xf32, #tpu.memory_space<vmem>>
    %dma_start3A_138 = arith.constant 128 : i32
    %dma_start3A_139 = tpu.memref_slice %arg5[%dma_start3A_132, %dma_start3A_138] : memref<128x200xi32, #tpu.memory_space<vmem>> -> memref<1x72xi32, #tpu.memory_space<vmem>>
    %dma_start3A_140 = tpu.memref_squeeze %dma_start3A_139 : memref<1x72xi32, #tpu.memory_space<vmem>> -> memref<72xi32, #tpu.memory_space<vmem>>
    %dma_start3A_141 = arith.constant 0 : i32
    %dma_start3A_142 = arith.constant 0 : i32
    %dma_start3A_143 = tpu.memref_slice %arg3[%dma_start3A_141, %dma_start3A_142] : memref<1000000x32xf32, #tpu.memory_space<hbm>> -> memref<1000000x32xf32, #tpu.memory_space<hbm>>
    tpu.enqueue_indirect_dma source(%dma_start3A_143 : memref<1000000x32xf32, #tpu.memory_space<hbm>>) target(%dma_start3A_137 : memref<72x32xf32, #tpu.memory_space<vmem>>) offsets(%dma_start3A_140 : memref<72xi32, #tpu.memory_space<vmem>>) semaphore(%arg8 : memref<!tpu.dma_semaphore, #tpu.memory_space<semaphore_mem>>)
    %dma_start3A_144 = arith.constant 6 : i32
    %dma_start3A_145 = arith.constant 1 : i32
    %dma_start3A_146 = arith.constant 400 : i32
    %dma_start3A_147 = arith.constant 0 : i32
    %dma_start3A_148 = tpu.memref_slice %arg6[%dma_start3A_145, %dma_start3A_146, %dma_start3A_147] : memref<4x800x32xf32, #tpu.memory_space<vmem>> -> memref<1x128x32xf32, #tpu.memory_space<vmem>>
    %dma_start3A_149 = tpu.memref_squeeze %dma_start3A_148 : memref<1x128x32xf32, #tpu.memory_space<vmem>> -> memref<128x32xf32, #tpu.memory_space<vmem>>
    %dma_start3A_150 = arith.constant 0 : i32
    %dma_start3A_151 = tpu.memref_slice %arg5[%dma_start3A_144, %dma_start3A_150] : memref<128x200xi32, #tpu.memory_space<vmem>> -> memref<1x128xi32, #tpu.memory_space<vmem>>
    %dma_start3A_152 = tpu.memref_squeeze %dma_start3A_151 : memref<1x128xi32, #tpu.memory_space<vmem>> -> memref<128xi32, #tpu.memory_space<vmem>>
    %dma_start3A_153 = arith.constant 0 : i32
    %dma_start3A_154 = arith.constant 0 : i32
    %dma_start3A_155 = tpu.memref_slice %arg3[%dma_start3A_153, %dma_start3A_154] : memref<1000000x32xf32, #tpu.memory_space<hbm>> -> memref<1000000x32xf32, #tpu.memory_space<hbm>>
    tpu.enqueue_indirect_dma source(%dma_start3A_155 : memref<1000000x32xf32, #tpu.memory_space<hbm>>) target(%dma_start3A_149 : memref<128x32xf32, #tpu.memory_space<vmem>>) offsets(%dma_start3A_152 : memref<128xi32, #tpu.memory_space<vmem>>) semaphore(%arg8 : memref<!tpu.dma_semaphore, #tpu.memory_space<semaphore_mem>>)
    %dma_start3A_156 = arith.constant 6 : i32
    %dma_start3A_157 = arith.constant 1 : i32
    %dma_start3A_158 = arith.constant 528 : i32
    %dma_start3A_159 = arith.constant 0 : i32
    %dma_start3A_160 = tpu.memref_slice %arg6[%dma_start3A_157, %dma_start3A_158, %dma_start3A_159] : memref<4x800x32xf32, #tpu.memory_space<vmem>> -> memref<1x72x32xf32, #tpu.memory_space<vmem>>
    %dma_start3A_161 = tpu.memref_squeeze %dma_start3A_160 : memref<1x72x32xf32, #tpu.memory_space<vmem>> -> memref<72x32xf32, #tpu.memory_space<vmem>>
    %dma_start3A_162 = arith.constant 128 : i32
    %dma_start3A_163 = tpu.memref_slice %arg5[%dma_start3A_156, %dma_start3A_162] : memref<128x200xi32, #tpu.memory_space<vmem>> -> memref<1x72xi32, #tpu.memory_space<vmem>>
    %dma_start3A_164 = tpu.memref_squeeze %dma_start3A_163 : memref<1x72xi32, #tpu.memory_space<vmem>> -> memref<72xi32, #tpu.memory_space<vmem>>
    %dma_start3A_165 = arith.constant 0 : i32
    %dma_start3A_166 = arith.constant 0 : i32
    %dma_start3A_167 = tpu.memref_slice %arg3[%dma_start3A_165, %dma_start3A_166] : memref<1000000x32xf32, #tpu.memory_space<hbm>> -> memref<1000000x32xf32, #tpu.memory_space<hbm>>
    tpu.enqueue_indirect_dma source(%dma_start3A_167 : memref<1000000x32xf32, #tpu.memory_space<hbm>>) target(%dma_start3A_161 : memref<72x32xf32, #tpu.memory_space<vmem>>) offsets(%dma_start3A_164 : memref<72xi32, #tpu.memory_space<vmem>>) semaphore(%arg8 : memref<!tpu.dma_semaphore, #tpu.memory_space<semaphore_mem>>)
    %dma_start3A_168 = arith.constant 7 : i32
    %dma_start3A_169 = arith.constant 1 : i32
    %dma_start3A_170 = arith.constant 600 : i32
    %dma_start3A_171 = arith.constant 0 : i32
    %dma_start3A_172 = tpu.memref_slice %arg6[%dma_start3A_169, %dma_start3A_170, %dma_start3A_171] : memref<4x800x32xf32, #tpu.memory_space<vmem>> -> memref<1x128x32xf32, #tpu.memory_space<vmem>>
    %dma_start3A_173 = tpu.memref_squeeze %dma_start3A_172 : memref<1x128x32xf32, #tpu.memory_space<vmem>> -> memref<128x32xf32, #tpu.memory_space<vmem>>
    %dma_start3A_174 = arith.constant 0 : i32
    %dma_start3A_175 = tpu.memref_slice %arg5[%dma_start3A_168, %dma_start3A_174] : memref<128x200xi32, #tpu.memory_space<vmem>> -> memref<1x128xi32, #tpu.memory_space<vmem>>
    %dma_start3A_176 = tpu.memref_squeeze %dma_start3A_175 : memref<1x128xi32, #tpu.memory_space<vmem>> -> memref<128xi32, #tpu.memory_space<vmem>>
    %dma_start3A_177 = arith.constant 0 : i32
    %dma_start3A_178 = arith.constant 0 : i32
    %dma_start3A_179 = tpu.memref_slice %arg3[%dma_start3A_177, %dma_start3A_178] : memref<1000000x32xf32, #tpu.memory_space<hbm>> -> memref<1000000x32xf32, #tpu.memory_space<hbm>>
    tpu.enqueue_indirect_dma source(%dma_start3A_179 : memref<1000000x32xf32, #tpu.memory_space<hbm>>) target(%dma_start3A_173 : memref<128x32xf32, #tpu.memory_space<vmem>>) offsets(%dma_start3A_176 : memref<128xi32, #tpu.memory_space<vmem>>) semaphore(%arg8 : memref<!tpu.dma_semaphore, #tpu.memory_space<semaphore_mem>>)
    %dma_start3A_180 = arith.constant 7 : i32
    %dma_start3A_181 = arith.constant 1 : i32
    %dma_start3A_182 = arith.constant 728 : i32
    %dma_start3A_183 = arith.constant 0 : i32
    %dma_start3A_184 = tpu.memref_slice %arg6[%dma_start3A_181, %dma_start3A_182, %dma_start3A_183] : memref<4x800x32xf32, #tpu.memory_space<vmem>> -> memref<1x72x32xf32, #tpu.memory_space<vmem>>
    %dma_start3A_185 = tpu.memref_squeeze %dma_start3A_184 : memref<1x72x32xf32, #tpu.memory_space<vmem>> -> memref<72x32xf32, #tpu.memory_space<vmem>>
    %dma_start3A_186 = arith.constant 128 : i32
    %dma_start3A_187 = tpu.memref_slice %arg5[%dma_start3A_180, %dma_start3A_186] : memref<128x200xi32, #tpu.memory_space<vmem>> -> memref<1x72xi32, #tpu.memory_space<vmem>>
    %dma_start3A_188 = tpu.memref_squeeze %dma_start3A_187 : memref<1x72xi32, #tpu.memory_space<vmem>> -> memref<72xi32, #tpu.memory_space<vmem>>
    %dma_start3A_189 = arith.constant 0 : i32
    %dma_start3A_190 = arith.constant 0 : i32
    %dma_start3A_191 = tpu.memref_slice %arg3[%dma_start3A_189, %dma_start3A_190] : memref<1000000x32xf32, #tpu.memory_space<hbm>> -> memref<1000000x32xf32, #tpu.memory_space<hbm>>
    tpu.enqueue_indirect_dma source(%dma_start3A_191 : memref<1000000x32xf32, #tpu.memory_space<hbm>>) target(%dma_start3A_185 : memref<72x32xf32, #tpu.memory_space<vmem>>) offsets(%dma_start3A_188 : memref<72xi32, #tpu.memory_space<vmem>>) semaphore(%arg8 : memref<!tpu.dma_semaphore, #tpu.memory_space<semaphore_mem>>)
    %scan3A = arith.constant 0 : i32
    %scan3A_192 = arith.constant 0 : i32
    %scan3A_193 = arith.constant 8 : i32
    %scan3A_194 = arith.addi %scan3A_192, %scan3A_193 : i32
    %scan3A_195 = arith.constant 1 : i32
    scf.for %scan3A_234 = %scan3A_192 to %scan3A_194 step %scan3A_195  : i32 {
      %mul3A_235 = arith.constant 4 : i32
      %mul3A_236 = arith.muli %mul3A_235, %scan3A_234 : i32
      %add3A_237 = arith.constant 0 : i32
      %add3A_238 = arith.addi %mul3A_236, %add3A_237 : i32
      %mul3A_239 = arith.constant 4 : i32
      %mul3A_240 = arith.muli %add3A_238, %mul3A_239 : i32
      %add3A_241 = arith.constant 0 : i32
      %add3A_242 = arith.addi %mul3A_240, %add3A_241 : i32
      %mul3A_243 = arith.constant 4 : i32
      %mul3A_244 = arith.muli %add3A_238, %mul3A_243 : i32
      %add3A_245 = arith.constant 0 : i32
      %add3A_246 = arith.addi %mul3A_244, %add3A_245 : i32
      %mul3A_247 = arith.constant 4 : i32
      %mul3A_248 = arith.muli %add3A_238, %mul3A_247 : i32
      %add3A_249 = arith.constant 1 : i32
      %add3A_250 = arith.addi %mul3A_248, %add3A_249 : i32
      %mul3A_251 = arith.constant 4 : i32
      %mul3A_252 = arith.muli %add3A_238, %mul3A_251 : i32
      %add3A_253 = arith.constant 1 : i32
      %add3A_254 = arith.addi %mul3A_252, %add3A_253 : i32
      %mul3A_255 = arith.constant 4 : i32
      %mul3A_256 = arith.muli %add3A_238, %mul3A_255 : i32
      %add3A_257 = arith.constant 2 : i32
      %add3A_258 = arith.addi %mul3A_256, %add3A_257 : i32
      %mul3A_259 = arith.constant 4 : i32
      %mul3A_260 = arith.muli %add3A_238, %mul3A_259 : i32
      %add3A_261 = arith.constant 2 : i32
      %add3A_262 = arith.addi %mul3A_260, %add3A_261 : i32
      %mul3A_263 = arith.constant 4 : i32
      %mul3A_264 = arith.muli %add3A_238, %mul3A_263 : i32
      %add3A_265 = arith.constant 3 : i32
      %add3A_266 = arith.addi %mul3A_264, %add3A_265 : i32
      %mul3A_267 = arith.constant 4 : i32
      %mul3A_268 = arith.muli %add3A_238, %mul3A_267 : i32
      %add3A_269 = arith.constant 3 : i32
      %add3A_270 = arith.addi %mul3A_268, %add3A_269 : i32
      %dma_wait3A_271 = arith.constant 0 : i32
      %dma_wait3A_272 = arith.constant 0 : i32
      %dma_wait3A_273 = arith.constant 0 : i32
      %dma_wait3A_274 = tpu.memref_slice %arg6[%dma_wait3A_271, %dma_wait3A_272, %dma_wait3A_273] : memref<4x800x32xf32, #tpu.memory_space<vmem>> -> memref<1x128x32xf32, #tpu.memory_space<vmem>>
      %dma_wait3A_275 = tpu.memref_squeeze %dma_wait3A_274 : memref<1x128x32xf32, #tpu.memory_space<vmem>> -> memref<128x32xf32, #tpu.memory_space<vmem>>
      %dma_wait3A_276 = arith.constant 0 : i32
      %dma_wait3A_277 = tpu.memref_slice %arg5[%add3A_242, %dma_wait3A_276] : memref<128x200xi32, #tpu.memory_space<vmem>> -> memref<1x128xi32, #tpu.memory_space<vmem>>
      %dma_wait3A_278 = tpu.memref_squeeze %dma_wait3A_277 : memref<1x128xi32, #tpu.memory_space<vmem>> -> memref<128xi32, #tpu.memory_space<vmem>>
      %dma_wait3A_279 = arith.constant 0 : i32
      %dma_wait3A_280 = arith.constant 0 : i32
      %dma_wait3A_281 = tpu.memref_slice %arg3[%dma_wait3A_279, %dma_wait3A_280] : memref<1000000x32xf32, #tpu.memory_space<hbm>> -> memref<1000000x32xf32, #tpu.memory_space<hbm>>
      tpu.wait_indirect_dma semaphore(%arg7 : memref<!tpu.dma_semaphore, #tpu.memory_space<semaphore_mem>>) src(%dma_wait3A_281 : memref<1000000x32xf32, #tpu.memory_space<hbm>>) dst(%dma_wait3A_275 : memref<128x32xf32, #tpu.memory_space<vmem>>)
      %dma_wait3A_282 = arith.constant 0 : i32
      %dma_wait3A_283 = arith.constant 128 : i32
      %dma_wait3A_284 = arith.constant 0 : i32
      %dma_wait3A_285 = tpu.memref_slice %arg6[%dma_wait3A_282, %dma_wait3A_283, %dma_wait3A_284] : memref<4x800x32xf32, #tpu.memory_space<vmem>> -> memref<1x72x32xf32, #tpu.memory_space<vmem>>
      %dma_wait3A_286 = tpu.memref_squeeze %dma_wait3A_285 : memref<1x72x32xf32, #tpu.memory_space<vmem>> -> memref<72x32xf32, #tpu.memory_space<vmem>>
      %dma_wait3A_287 = arith.constant 128 : i32
      %dma_wait3A_288 = tpu.memref_slice %arg5[%add3A_246, %dma_wait3A_287] : memref<128x200xi32, #tpu.memory_space<vmem>> -> memref<1x72xi32, #tpu.memory_space<vmem>>
      %dma_wait3A_289 = tpu.memref_squeeze %dma_wait3A_288 : memref<1x72xi32, #tpu.memory_space<vmem>> -> memref<72xi32, #tpu.memory_space<vmem>>
      %dma_wait3A_290 = arith.constant 0 : i32
      %dma_wait3A_291 = arith.constant 0 : i32
      %dma_wait3A_292 = tpu.memref_slice %arg3[%dma_wait3A_290, %dma_wait3A_291] : memref<1000000x32xf32, #tpu.memory_space<hbm>> -> memref<1000000x32xf32, #tpu.memory_space<hbm>>
      tpu.wait_indirect_dma semaphore(%arg7 : memref<!tpu.dma_semaphore, #tpu.memory_space<semaphore_mem>>) src(%dma_wait3A_292 : memref<1000000x32xf32, #tpu.memory_space<hbm>>) dst(%dma_wait3A_286 : memref<72x32xf32, #tpu.memory_space<vmem>>)
      %dma_wait3A_293 = arith.constant 0 : i32
      %dma_wait3A_294 = arith.constant 200 : i32
      %dma_wait3A_295 = arith.constant 0 : i32
      %dma_wait3A_296 = tpu.memref_slice %arg6[%dma_wait3A_293, %dma_wait3A_294, %dma_wait3A_295] : memref<4x800x32xf32, #tpu.memory_space<vmem>> -> memref<1x128x32xf32, #tpu.memory_space<vmem>>
      %dma_wait3A_297 = tpu.memref_squeeze %dma_wait3A_296 : memref<1x128x32xf32, #tpu.memory_space<vmem>> -> memref<128x32xf32, #tpu.memory_space<vmem>>
      %dma_wait3A_298 = arith.constant 0 : i32
      %dma_wait3A_299 = tpu.memref_slice %arg5[%add3A_250, %dma_wait3A_298] : memref<128x200xi32, #tpu.memory_space<vmem>> -> memref<1x128xi32, #tpu.memory_space<vmem>>
      %dma_wait3A_300 = tpu.memref_squeeze %dma_wait3A_299 : memref<1x128xi32, #tpu.memory_space<vmem>> -> memref<128xi32, #tpu.memory_space<vmem>>
      %dma_wait3A_301 = arith.constant 0 : i32
      %dma_wait3A_302 = arith.constant 0 : i32
      %dma_wait3A_303 = tpu.memref_slice %arg3[%dma_wait3A_301, %dma_wait3A_302] : memref<1000000x32xf32, #tpu.memory_space<hbm>> -> memref<1000000x32xf32, #tpu.memory_space<hbm>>
      tpu.wait_indirect_dma semaphore(%arg7 : memref<!tpu.dma_semaphore, #tpu.memory_space<semaphore_mem>>) src(%dma_wait3A_303 : memref<1000000x32xf32, #tpu.memory_space<hbm>>) dst(%dma_wait3A_297 : memref<128x32xf32, #tpu.memory_space<vmem>>)
      %dma_wait3A_304 = arith.constant 0 : i32
      %dma_wait3A_305 = arith.constant 328 : i32
      %dma_wait3A_306 = arith.constant 0 : i32
      %dma_wait3A_307 = tpu.memref_slice %arg6[%dma_wait3A_304, %dma_wait3A_305, %dma_wait3A_306] : memref<4x800x32xf32, #tpu.memory_space<vmem>> -> memref<1x72x32xf32, #tpu.memory_space<vmem>>
      %dma_wait3A_308 = tpu.memref_squeeze %dma_wait3A_307 : memref<1x72x32xf32, #tpu.memory_space<vmem>> -> memref<72x32xf32, #tpu.memory_space<vmem>>
      %dma_wait3A_309 = arith.constant 128 : i32
      %dma_wait3A_310 = tpu.memref_slice %arg5[%add3A_254, %dma_wait3A_309] : memref<128x200xi32, #tpu.memory_space<vmem>> -> memref<1x72xi32, #tpu.memory_space<vmem>>
      %dma_wait3A_311 = tpu.memref_squeeze %dma_wait3A_310 : memref<1x72xi32, #tpu.memory_space<vmem>> -> memref<72xi32, #tpu.memory_space<vmem>>
      %dma_wait3A_312 = arith.constant 0 : i32
      %dma_wait3A_313 = arith.constant 0 : i32
      %dma_wait3A_314 = tpu.memref_slice %arg3[%dma_wait3A_312, %dma_wait3A_313] : memref<1000000x32xf32, #tpu.memory_space<hbm>> -> memref<1000000x32xf32, #tpu.memory_space<hbm>>
      tpu.wait_indirect_dma semaphore(%arg7 : memref<!tpu.dma_semaphore, #tpu.memory_space<semaphore_mem>>) src(%dma_wait3A_314 : memref<1000000x32xf32, #tpu.memory_space<hbm>>) dst(%dma_wait3A_308 : memref<72x32xf32, #tpu.memory_space<vmem>>)
      %dma_wait3A_315 = arith.constant 0 : i32
      %dma_wait3A_316 = arith.constant 400 : i32
      %dma_wait3A_317 = arith.constant 0 : i32
      %dma_wait3A_318 = tpu.memref_slice %arg6[%dma_wait3A_315, %dma_wait3A_316, %dma_wait3A_317] : memref<4x800x32xf32, #tpu.memory_space<vmem>> -> memref<1x128x32xf32, #tpu.memory_space<vmem>>
      %dma_wait3A_319 = tpu.memref_squeeze %dma_wait3A_318 : memref<1x128x32xf32, #tpu.memory_space<vmem>> -> memref<128x32xf32, #tpu.memory_space<vmem>>
      %dma_wait3A_320 = arith.constant 0 : i32
      %dma_wait3A_321 = tpu.memref_slice %arg5[%add3A_258, %dma_wait3A_320] : memref<128x200xi32, #tpu.memory_space<vmem>> -> memref<1x128xi32, #tpu.memory_space<vmem>>
      %dma_wait3A_322 = tpu.memref_squeeze %dma_wait3A_321 : memref<1x128xi32, #tpu.memory_space<vmem>> -> memref<128xi32, #tpu.memory_space<vmem>>
      %dma_wait3A_323 = arith.constant 0 : i32
      %dma_wait3A_324 = arith.constant 0 : i32
      %dma_wait3A_325 = tpu.memref_slice %arg3[%dma_wait3A_323, %dma_wait3A_324] : memref<1000000x32xf32, #tpu.memory_space<hbm>> -> memref<1000000x32xf32, #tpu.memory_space<hbm>>
      tpu.wait_indirect_dma semaphore(%arg7 : memref<!tpu.dma_semaphore, #tpu.memory_space<semaphore_mem>>) src(%dma_wait3A_325 : memref<1000000x32xf32, #tpu.memory_space<hbm>>) dst(%dma_wait3A_319 : memref<128x32xf32, #tpu.memory_space<vmem>>)
      %dma_wait3A_326 = arith.constant 0 : i32
      %dma_wait3A_327 = arith.constant 528 : i32
      %dma_wait3A_328 = arith.constant 0 : i32
      %dma_wait3A_329 = tpu.memref_slice %arg6[%dma_wait3A_326, %dma_wait3A_327, %dma_wait3A_328] : memref<4x800x32xf32, #tpu.memory_space<vmem>> -> memref<1x72x32xf32, #tpu.memory_space<vmem>>
      %dma_wait3A_330 = tpu.memref_squeeze %dma_wait3A_329 : memref<1x72x32xf32, #tpu.memory_space<vmem>> -> memref<72x32xf32, #tpu.memory_space<vmem>>
      %dma_wait3A_331 = arith.constant 128 : i32
      %dma_wait3A_332 = tpu.memref_slice %arg5[%add3A_262, %dma_wait3A_331] : memref<128x200xi32, #tpu.memory_space<vmem>> -> memref<1x72xi32, #tpu.memory_space<vmem>>
      %dma_wait3A_333 = tpu.memref_squeeze %dma_wait3A_332 : memref<1x72xi32, #tpu.memory_space<vmem>> -> memref<72xi32, #tpu.memory_space<vmem>>
      %dma_wait3A_334 = arith.constant 0 : i32
      %dma_wait3A_335 = arith.constant 0 : i32
      %dma_wait3A_336 = tpu.memref_slice %arg3[%dma_wait3A_334, %dma_wait3A_335] : memref<1000000x32xf32, #tpu.memory_space<hbm>> -> memref<1000000x32xf32, #tpu.memory_space<hbm>>
      tpu.wait_indirect_dma semaphore(%arg7 : memref<!tpu.dma_semaphore, #tpu.memory_space<semaphore_mem>>) src(%dma_wait3A_336 : memref<1000000x32xf32, #tpu.memory_space<hbm>>) dst(%dma_wait3A_330 : memref<72x32xf32, #tpu.memory_space<vmem>>)
      %dma_wait3A_337 = arith.constant 0 : i32
      %dma_wait3A_338 = arith.constant 600 : i32
      %dma_wait3A_339 = arith.constant 0 : i32
      %dma_wait3A_340 = tpu.memref_slice %arg6[%dma_wait3A_337, %dma_wait3A_338, %dma_wait3A_339] : memref<4x800x32xf32, #tpu.memory_space<vmem>> -> memref<1x128x32xf32, #tpu.memory_space<vmem>>
      %dma_wait3A_341 = tpu.memref_squeeze %dma_wait3A_340 : memref<1x128x32xf32, #tpu.memory_space<vmem>> -> memref<128x32xf32, #tpu.memory_space<vmem>>
      %dma_wait3A_342 = arith.constant 0 : i32
      %dma_wait3A_343 = tpu.memref_slice %arg5[%add3A_266, %dma_wait3A_342] : memref<128x200xi32, #tpu.memory_space<vmem>> -> memref<1x128xi32, #tpu.memory_space<vmem>>
      %dma_wait3A_344 = tpu.memref_squeeze %dma_wait3A_343 : memref<1x128xi32, #tpu.memory_space<vmem>> -> memref<128xi32, #tpu.memory_space<vmem>>
      %dma_wait3A_345 = arith.constant 0 : i32
      %dma_wait3A_346 = arith.constant 0 : i32
      %dma_wait3A_347 = tpu.memref_slice %arg3[%dma_wait3A_345, %dma_wait3A_346] : memref<1000000x32xf32, #tpu.memory_space<hbm>> -> memref<1000000x32xf32, #tpu.memory_space<hbm>>
      tpu.wait_indirect_dma semaphore(%arg7 : memref<!tpu.dma_semaphore, #tpu.memory_space<semaphore_mem>>) src(%dma_wait3A_347 : memref<1000000x32xf32, #tpu.memory_space<hbm>>) dst(%dma_wait3A_341 : memref<128x32xf32, #tpu.memory_space<vmem>>)
      %dma_wait3A_348 = arith.constant 0 : i32
      %dma_wait3A_349 = arith.constant 728 : i32
      %dma_wait3A_350 = arith.constant 0 : i32
      %dma_wait3A_351 = tpu.memref_slice %arg6[%dma_wait3A_348, %dma_wait3A_349, %dma_wait3A_350] : memref<4x800x32xf32, #tpu.memory_space<vmem>> -> memref<1x72x32xf32, #tpu.memory_space<vmem>>
      %dma_wait3A_352 = tpu.memref_squeeze %dma_wait3A_351 : memref<1x72x32xf32, #tpu.memory_space<vmem>> -> memref<72x32xf32, #tpu.memory_space<vmem>>
      %dma_wait3A_353 = arith.constant 128 : i32
      %dma_wait3A_354 = tpu.memref_slice %arg5[%add3A_270, %dma_wait3A_353] : memref<128x200xi32, #tpu.memory_space<vmem>> -> memref<1x72xi32, #tpu.memory_space<vmem>>
      %dma_wait3A_355 = tpu.memref_squeeze %dma_wait3A_354 : memref<1x72xi32, #tpu.memory_space<vmem>> -> memref<72xi32, #tpu.memory_space<vmem>>
      %dma_wait3A_356 = arith.constant 0 : i32
      %dma_wait3A_357 = arith.constant 0 : i32
      %dma_wait3A_358 = tpu.memref_slice %arg3[%dma_wait3A_356, %dma_wait3A_357] : memref<1000000x32xf32, #tpu.memory_space<hbm>> -> memref<1000000x32xf32, #tpu.memory_space<hbm>>
      tpu.wait_indirect_dma semaphore(%arg7 : memref<!tpu.dma_semaphore, #tpu.memory_space<semaphore_mem>>) src(%dma_wait3A_358 : memref<1000000x32xf32, #tpu.memory_space<hbm>>) dst(%dma_wait3A_352 : memref<72x32xf32, #tpu.memory_space<vmem>>)
      %mul3A_359 = arith.constant 128 : i32
      %mul3A_360 = arith.muli %add3A, %mul3A_359 : i32
      %mul3A_361 = arith.constant 4 : i32
      %mul3A_362 = arith.muli %add3A_238, %mul3A_361 : i32
      %add3A_363 = arith.addi %mul3A_360, %mul3A_362 : i32
      %mul3A_364 = arith.constant 200 : i32
      %mul3A_365 = arith.muli %add3A_363, %mul3A_364 : i32
      %dma_start3A_366 = arith.constant 0 : i32
      %dma_start3A_367 = arith.constant 0 : i32
      %dma_start3A_368 = arith.constant 0 : i32
      %dma_start3A_369 = tpu.memref_slice %arg6[%dma_start3A_366, %dma_start3A_367, %dma_start3A_368] : memref<4x800x32xf32, #tpu.memory_space<vmem>> -> memref<1x800x32xf32, #tpu.memory_space<vmem>>
      %dma_start3A_370 = tpu.memref_squeeze %dma_start3A_369 : memref<1x800x32xf32, #tpu.memory_space<vmem>> -> memref<800x32xf32, #tpu.memory_space<vmem>>
      %dma_start3A_371 = arith.constant 0 : i32
      %dma_start3A_372 = tpu.memref_slice %arg4[%mul3A_365, %dma_start3A_371] : memref<819200x128xf32, #tpu.memory_space<hbm>> -> memref<800x32xf32, #tpu.memory_space<hbm>>
      %dma_start3A_373 = arith.constant 0 : i32
      %dma_start3A_374 = tpu.memref_slice %arg4[%mul3A_365, %dma_start3A_373] : memref<819200x128xf32, #tpu.memory_space<hbm>> -> memref<800x32xf32, #tpu.memory_space<hbm>>
      %dma_start3A_375 = arith.constant 0 : i32
      %dma_start3A_376 = arith.constant 0 : i32
      %dma_start3A_377 = tpu.memref_slice %arg6[%dma_start3A_366, %dma_start3A_375, %dma_start3A_376] : memref<4x800x32xf32, #tpu.memory_space<vmem>> -> memref<1x800x32xf32, #tpu.memory_space<vmem>>
      %dma_start3A_378 = tpu.memref_squeeze %dma_start3A_377 : memref<1x800x32xf32, #tpu.memory_space<vmem>> -> memref<800x32xf32, #tpu.memory_space<vmem>>
      tpu.enqueue_dma source(%dma_start3A_378 : memref<800x32xf32, #tpu.memory_space<vmem>>) target(%dma_start3A_374 : memref<800x32xf32, #tpu.memory_space<hbm>>) target_semaphore(%arg11 : memref<!tpu.dma_semaphore, #tpu.memory_space<semaphore_mem>>)
      %ge3A = arith.constant 2 : i32
      %ge3A_379 = arith.cmpi sge, %add3A_238, %ge3A : i32
      %convert_element_type3A = arith.extui %ge3A_379 : i1 to i32
      %cond3A = arith.constant 0 : i32
      %cond3A_380 = arith.cmpi ne, %convert_element_type3A, %cond3A : i32
      scf.if %cond3A_380 {
        %sub3A = arith.constant 2 : i32
        %sub3A_855 = arith.subi %add3A_238, %sub3A : i32
        %mul3A_856 = arith.constant 128 : i32
        %mul3A_857 = arith.muli %add3A, %mul3A_856 : i32
        %mul3A_858 = arith.constant 4 : i32
        %mul3A_859 = arith.muli %sub3A_855, %mul3A_858 : i32
        %add3A_860 = arith.addi %mul3A_857, %mul3A_859 : i32
        %mul3A_861 = arith.constant 200 : i32
        %mul3A_862 = arith.muli %add3A_860, %mul3A_861 : i32
        %dma_wait3A_863 = arith.constant 2 : i32
        %dma_wait3A_864 = arith.constant 0 : i32
        %dma_wait3A_865 = arith.constant 0 : i32
        %dma_wait3A_866 = tpu.memref_slice %arg6[%dma_wait3A_863, %dma_wait3A_864, %dma_wait3A_865] : memref<4x800x32xf32, #tpu.memory_space<vmem>> -> memref<1x800x32xf32, #tpu.memory_space<vmem>>
        %dma_wait3A_867 = tpu.memref_squeeze %dma_wait3A_866 : memref<1x800x32xf32, #tpu.memory_space<vmem>> -> memref<800x32xf32, #tpu.memory_space<vmem>>
        %dma_wait3A_868 = arith.constant 0 : i32
        %dma_wait3A_869 = tpu.memref_slice %arg4[%mul3A_862, %dma_wait3A_868] : memref<819200x128xf32, #tpu.memory_space<hbm>> -> memref<800x32xf32, #tpu.memory_space<hbm>>
        %dma_wait3A_870 = arith.constant 0 : i32
        %dma_wait3A_871 = tpu.memref_slice %arg4[%mul3A_862, %dma_wait3A_870] : memref<819200x128xf32, #tpu.memory_space<hbm>> -> memref<800x32xf32, #tpu.memory_space<hbm>>
        %dma_wait3A_872 = arith.constant 0 : i32
        %dma_wait3A_873 = arith.constant 0 : i32
        %dma_wait3A_874 = tpu.memref_slice %arg6[%dma_wait3A_863, %dma_wait3A_872, %dma_wait3A_873] : memref<4x800x32xf32, #tpu.memory_space<vmem>> -> memref<1x800x32xf32, #tpu.memory_space<vmem>>
        %dma_wait3A_875 = tpu.memref_squeeze %dma_wait3A_874 : memref<1x800x32xf32, #tpu.memory_space<vmem>> -> memref<800x32xf32, #tpu.memory_space<vmem>>
        tpu.wait_dma2 semaphore(%arg13 : memref<!tpu.dma_semaphore, #tpu.memory_space<semaphore_mem>>) src(%dma_wait3A_875 : memref<800x32xf32, #tpu.memory_space<vmem>>) dst(%dma_wait3A_871 : memref<800x32xf32, #tpu.memory_space<hbm>>)
      } else {
      }
      %add3A_381 = arith.constant 2 : i32
      %add3A_382 = arith.addi %add3A_238, %add3A_381 : i32
      %lt3A = arith.constant 32 : i32
      %lt3A_383 = arith.cmpi slt, %add3A_382, %lt3A : i32
      %convert_element_type3A_384 = arith.extui %lt3A_383 : i1 to i32
      %cond3A_385 = arith.constant 0 : i32
      %cond3A_386 = arith.cmpi ne, %convert_element_type3A_384, %cond3A_385 : i32
      scf.if %cond3A_386 {
        %add3A_855 = arith.constant 2 : i32
        %add3A_856 = arith.addi %add3A_238, %add3A_855 : i32
        %mul3A_857 = arith.constant 4 : i32
        %mul3A_858 = arith.muli %add3A_856, %mul3A_857 : i32
        %add3A_859 = arith.constant 0 : i32
        %add3A_860 = arith.addi %mul3A_858, %add3A_859 : i32
        %mul3A_861 = arith.constant 4 : i32
        %mul3A_862 = arith.muli %add3A_856, %mul3A_861 : i32
        %add3A_863 = arith.constant 0 : i32
        %add3A_864 = arith.addi %mul3A_862, %add3A_863 : i32
        %mul3A_865 = arith.constant 4 : i32
        %mul3A_866 = arith.muli %add3A_856, %mul3A_865 : i32
        %add3A_867 = arith.constant 1 : i32
        %add3A_868 = arith.addi %mul3A_866, %add3A_867 : i32
        %mul3A_869 = arith.constant 4 : i32
        %mul3A_870 = arith.muli %add3A_856, %mul3A_869 : i32
        %add3A_871 = arith.constant 1 : i32
        %add3A_872 = arith.addi %mul3A_870, %add3A_871 : i32
        %mul3A_873 = arith.constant 4 : i32
        %mul3A_874 = arith.muli %add3A_856, %mul3A_873 : i32
        %add3A_875 = arith.constant 2 : i32
        %add3A_876 = arith.addi %mul3A_874, %add3A_875 : i32
        %mul3A_877 = arith.constant 4 : i32
        %mul3A_878 = arith.muli %add3A_856, %mul3A_877 : i32
        %add3A_879 = arith.constant 2 : i32
        %add3A_880 = arith.addi %mul3A_878, %add3A_879 : i32
        %mul3A_881 = arith.constant 4 : i32
        %mul3A_882 = arith.muli %add3A_856, %mul3A_881 : i32
        %add3A_883 = arith.constant 3 : i32
        %add3A_884 = arith.addi %mul3A_882, %add3A_883 : i32
        %mul3A_885 = arith.constant 4 : i32
        %mul3A_886 = arith.muli %add3A_856, %mul3A_885 : i32
        %add3A_887 = arith.constant 3 : i32
        %add3A_888 = arith.addi %mul3A_886, %add3A_887 : i32
        %dma_start3A_889 = arith.constant 2 : i32
        %dma_start3A_890 = arith.constant 0 : i32
        %dma_start3A_891 = arith.constant 0 : i32
        %dma_start3A_892 = tpu.memref_slice %arg6[%dma_start3A_889, %dma_start3A_890, %dma_start3A_891] : memref<4x800x32xf32, #tpu.memory_space<vmem>> -> memref<1x128x32xf32, #tpu.memory_space<vmem>>
        %dma_start3A_893 = tpu.memref_squeeze %dma_start3A_892 : memref<1x128x32xf32, #tpu.memory_space<vmem>> -> memref<128x32xf32, #tpu.memory_space<vmem>>
        %dma_start3A_894 = arith.constant 0 : i32
        %dma_start3A_895 = tpu.memref_slice %arg5[%add3A_860, %dma_start3A_894] : memref<128x200xi32, #tpu.memory_space<vmem>> -> memref<1x128xi32, #tpu.memory_space<vmem>>
        %dma_start3A_896 = tpu.memref_squeeze %dma_start3A_895 : memref<1x128xi32, #tpu.memory_space<vmem>> -> memref<128xi32, #tpu.memory_space<vmem>>
        %dma_start3A_897 = arith.constant 0 : i32
        %dma_start3A_898 = arith.constant 0 : i32
        %dma_start3A_899 = tpu.memref_slice %arg3[%dma_start3A_897, %dma_start3A_898] : memref<1000000x32xf32, #tpu.memory_space<hbm>> -> memref<1000000x32xf32, #tpu.memory_space<hbm>>
        tpu.enqueue_indirect_dma source(%dma_start3A_899 : memref<1000000x32xf32, #tpu.memory_space<hbm>>) target(%dma_start3A_893 : memref<128x32xf32, #tpu.memory_space<vmem>>) offsets(%dma_start3A_896 : memref<128xi32, #tpu.memory_space<vmem>>) semaphore(%arg9 : memref<!tpu.dma_semaphore, #tpu.memory_space<semaphore_mem>>)
        %dma_start3A_900 = arith.constant 2 : i32
        %dma_start3A_901 = arith.constant 128 : i32
        %dma_start3A_902 = arith.constant 0 : i32
        %dma_start3A_903 = tpu.memref_slice %arg6[%dma_start3A_900, %dma_start3A_901, %dma_start3A_902] : memref<4x800x32xf32, #tpu.memory_space<vmem>> -> memref<1x72x32xf32, #tpu.memory_space<vmem>>
        %dma_start3A_904 = tpu.memref_squeeze %dma_start3A_903 : memref<1x72x32xf32, #tpu.memory_space<vmem>> -> memref<72x32xf32, #tpu.memory_space<vmem>>
        %dma_start3A_905 = arith.constant 128 : i32
        %dma_start3A_906 = tpu.memref_slice %arg5[%add3A_864, %dma_start3A_905] : memref<128x200xi32, #tpu.memory_space<vmem>> -> memref<1x72xi32, #tpu.memory_space<vmem>>
        %dma_start3A_907 = tpu.memref_squeeze %dma_start3A_906 : memref<1x72xi32, #tpu.memory_space<vmem>> -> memref<72xi32, #tpu.memory_space<vmem>>
        %dma_start3A_908 = arith.constant 0 : i32
        %dma_start3A_909 = arith.constant 0 : i32
        %dma_start3A_910 = tpu.memref_slice %arg3[%dma_start3A_908, %dma_start3A_909] : memref<1000000x32xf32, #tpu.memory_space<hbm>> -> memref<1000000x32xf32, #tpu.memory_space<hbm>>
        tpu.enqueue_indirect_dma source(%dma_start3A_910 : memref<1000000x32xf32, #tpu.memory_space<hbm>>) target(%dma_start3A_904 : memref<72x32xf32, #tpu.memory_space<vmem>>) offsets(%dma_start3A_907 : memref<72xi32, #tpu.memory_space<vmem>>) semaphore(%arg9 : memref<!tpu.dma_semaphore, #tpu.memory_space<semaphore_mem>>)
        %dma_start3A_911 = arith.constant 2 : i32
        %dma_start3A_912 = arith.constant 200 : i32
        %dma_start3A_913 = arith.constant 0 : i32
        %dma_start3A_914 = tpu.memref_slice %arg6[%dma_start3A_911, %dma_start3A_912, %dma_start3A_913] : memref<4x800x32xf32, #tpu.memory_space<vmem>> -> memref<1x128x32xf32, #tpu.memory_space<vmem>>
        %dma_start3A_915 = tpu.memref_squeeze %dma_start3A_914 : memref<1x128x32xf32, #tpu.memory_space<vmem>> -> memref<128x32xf32, #tpu.memory_space<vmem>>
        %dma_start3A_916 = arith.constant 0 : i32
        %dma_start3A_917 = tpu.memref_slice %arg5[%add3A_868, %dma_start3A_916] : memref<128x200xi32, #tpu.memory_space<vmem>> -> memref<1x128xi32, #tpu.memory_space<vmem>>
        %dma_start3A_918 = tpu.memref_squeeze %dma_start3A_917 : memref<1x128xi32, #tpu.memory_space<vmem>> -> memref<128xi32, #tpu.memory_space<vmem>>
        %dma_start3A_919 = arith.constant 0 : i32
        %dma_start3A_920 = arith.constant 0 : i32
        %dma_start3A_921 = tpu.memref_slice %arg3[%dma_start3A_919, %dma_start3A_920] : memref<1000000x32xf32, #tpu.memory_space<hbm>> -> memref<1000000x32xf32, #tpu.memory_space<hbm>>
        tpu.enqueue_indirect_dma source(%dma_start3A_921 : memref<1000000x32xf32, #tpu.memory_space<hbm>>) target(%dma_start3A_915 : memref<128x32xf32, #tpu.memory_space<vmem>>) offsets(%dma_start3A_918 : memref<128xi32, #tpu.memory_space<vmem>>) semaphore(%arg9 : memref<!tpu.dma_semaphore, #tpu.memory_space<semaphore_mem>>)
        %dma_start3A_922 = arith.constant 2 : i32
        %dma_start3A_923 = arith.constant 328 : i32
        %dma_start3A_924 = arith.constant 0 : i32
        %dma_start3A_925 = tpu.memref_slice %arg6[%dma_start3A_922, %dma_start3A_923, %dma_start3A_924] : memref<4x800x32xf32, #tpu.memory_space<vmem>> -> memref<1x72x32xf32, #tpu.memory_space<vmem>>
        %dma_start3A_926 = tpu.memref_squeeze %dma_start3A_925 : memref<1x72x32xf32, #tpu.memory_space<vmem>> -> memref<72x32xf32, #tpu.memory_space<vmem>>
        %dma_start3A_927 = arith.constant 128 : i32
        %dma_start3A_928 = tpu.memref_slice %arg5[%add3A_872, %dma_start3A_927] : memref<128x200xi32, #tpu.memory_space<vmem>> -> memref<1x72xi32, #tpu.memory_space<vmem>>
        %dma_start3A_929 = tpu.memref_squeeze %dma_start3A_928 : memref<1x72xi32, #tpu.memory_space<vmem>> -> memref<72xi32, #tpu.memory_space<vmem>>
        %dma_start3A_930 = arith.constant 0 : i32
        %dma_start3A_931 = arith.constant 0 : i32
        %dma_start3A_932 = tpu.memref_slice %arg3[%dma_start3A_930, %dma_start3A_931] : memref<1000000x32xf32, #tpu.memory_space<hbm>> -> memref<1000000x32xf32, #tpu.memory_space<hbm>>
        tpu.enqueue_indirect_dma source(%dma_start3A_932 : memref<1000000x32xf32, #tpu.memory_space<hbm>>) target(%dma_start3A_926 : memref<72x32xf32, #tpu.memory_space<vmem>>) offsets(%dma_start3A_929 : memref<72xi32, #tpu.memory_space<vmem>>) semaphore(%arg9 : memref<!tpu.dma_semaphore, #tpu.memory_space<semaphore_mem>>)
        %dma_start3A_933 = arith.constant 2 : i32
        %dma_start3A_934 = arith.constant 400 : i32
        %dma_start3A_935 = arith.constant 0 : i32
        %dma_start3A_936 = tpu.memref_slice %arg6[%dma_start3A_933, %dma_start3A_934, %dma_start3A_935] : memref<4x800x32xf32, #tpu.memory_space<vmem>> -> memref<1x128x32xf32, #tpu.memory_space<vmem>>
        %dma_start3A_937 = tpu.memref_squeeze %dma_start3A_936 : memref<1x128x32xf32, #tpu.memory_space<vmem>> -> memref<128x32xf32, #tpu.memory_space<vmem>>
        %dma_start3A_938 = arith.constant 0 : i32
        %dma_start3A_939 = tpu.memref_slice %arg5[%add3A_876, %dma_start3A_938] : memref<128x200xi32, #tpu.memory_space<vmem>> -> memref<1x128xi32, #tpu.memory_space<vmem>>
        %dma_start3A_940 = tpu.memref_squeeze %dma_start3A_939 : memref<1x128xi32, #tpu.memory_space<vmem>> -> memref<128xi32, #tpu.memory_space<vmem>>
        %dma_start3A_941 = arith.constant 0 : i32
        %dma_start3A_942 = arith.constant 0 : i32
        %dma_start3A_943 = tpu.memref_slice %arg3[%dma_start3A_941, %dma_start3A_942] : memref<1000000x32xf32, #tpu.memory_space<hbm>> -> memref<1000000x32xf32, #tpu.memory_space<hbm>>
        tpu.enqueue_indirect_dma source(%dma_start3A_943 : memref<1000000x32xf32, #tpu.memory_space<hbm>>) target(%dma_start3A_937 : memref<128x32xf32, #tpu.memory_space<vmem>>) offsets(%dma_start3A_940 : memref<128xi32, #tpu.memory_space<vmem>>) semaphore(%arg9 : memref<!tpu.dma_semaphore, #tpu.memory_space<semaphore_mem>>)
        %dma_start3A_944 = arith.constant 2 : i32
        %dma_start3A_945 = arith.constant 528 : i32
        %dma_start3A_946 = arith.constant 0 : i32
        %dma_start3A_947 = tpu.memref_slice %arg6[%dma_start3A_944, %dma_start3A_945, %dma_start3A_946] : memref<4x800x32xf32, #tpu.memory_space<vmem>> -> memref<1x72x32xf32, #tpu.memory_space<vmem>>
        %dma_start3A_948 = tpu.memref_squeeze %dma_start3A_947 : memref<1x72x32xf32, #tpu.memory_space<vmem>> -> memref<72x32xf32, #tpu.memory_space<vmem>>
        %dma_start3A_949 = arith.constant 128 : i32
        %dma_start3A_950 = tpu.memref_slice %arg5[%add3A_880, %dma_start3A_949] : memref<128x200xi32, #tpu.memory_space<vmem>> -> memref<1x72xi32, #tpu.memory_space<vmem>>
        %dma_start3A_951 = tpu.memref_squeeze %dma_start3A_950 : memref<1x72xi32, #tpu.memory_space<vmem>> -> memref<72xi32, #tpu.memory_space<vmem>>
        %dma_start3A_952 = arith.constant 0 : i32
        %dma_start3A_953 = arith.constant 0 : i32
        %dma_start3A_954 = tpu.memref_slice %arg3[%dma_start3A_952, %dma_start3A_953] : memref<1000000x32xf32, #tpu.memory_space<hbm>> -> memref<1000000x32xf32, #tpu.memory_space<hbm>>
        tpu.enqueue_indirect_dma source(%dma_start3A_954 : memref<1000000x32xf32, #tpu.memory_space<hbm>>) target(%dma_start3A_948 : memref<72x32xf32, #tpu.memory_space<vmem>>) offsets(%dma_start3A_951 : memref<72xi32, #tpu.memory_space<vmem>>) semaphore(%arg9 : memref<!tpu.dma_semaphore, #tpu.memory_space<semaphore_mem>>)
        %dma_start3A_955 = arith.constant 2 : i32
        %dma_start3A_956 = arith.constant 600 : i32
        %dma_start3A_957 = arith.constant 0 : i32
        %dma_start3A_958 = tpu.memref_slice %arg6[%dma_start3A_955, %dma_start3A_956, %dma_start3A_957] : memref<4x800x32xf32, #tpu.memory_space<vmem>> -> memref<1x128x32xf32, #tpu.memory_space<vmem>>
        %dma_start3A_959 = tpu.memref_squeeze %dma_start3A_958 : memref<1x128x32xf32, #tpu.memory_space<vmem>> -> memref<128x32xf32, #tpu.memory_space<vmem>>
        %dma_start3A_960 = arith.constant 0 : i32
        %dma_start3A_961 = tpu.memref_slice %arg5[%add3A_884, %dma_start3A_960] : memref<128x200xi32, #tpu.memory_space<vmem>> -> memref<1x128xi32, #tpu.memory_space<vmem>>
        %dma_start3A_962 = tpu.memref_squeeze %dma_start3A_961 : memref<1x128xi32, #tpu.memory_space<vmem>> -> memref<128xi32, #tpu.memory_space<vmem>>
        %dma_start3A_963 = arith.constant 0 : i32
        %dma_start3A_964 = arith.constant 0 : i32
        %dma_start3A_965 = tpu.memref_slice %arg3[%dma_start3A_963, %dma_start3A_964] : memref<1000000x32xf32, #tpu.memory_space<hbm>> -> memref<1000000x32xf32, #tpu.memory_space<hbm>>
        tpu.enqueue_indirect_dma source(%dma_start3A_965 : memref<1000000x32xf32, #tpu.memory_space<hbm>>) target(%dma_start3A_959 : memref<128x32xf32, #tpu.memory_space<vmem>>) offsets(%dma_start3A_962 : memref<128xi32, #tpu.memory_space<vmem>>) semaphore(%arg9 : memref<!tpu.dma_semaphore, #tpu.memory_space<semaphore_mem>>)
        %dma_start3A_966 = arith.constant 2 : i32
        %dma_start3A_967 = arith.constant 728 : i32
        %dma_start3A_968 = arith.constant 0 : i32
        %dma_start3A_969 = tpu.memref_slice %arg6[%dma_start3A_966, %dma_start3A_967, %dma_start3A_968] : memref<4x800x32xf32, #tpu.memory_space<vmem>> -> memref<1x72x32xf32, #tpu.memory_space<vmem>>
        %dma_start3A_970 = tpu.memref_squeeze %dma_start3A_969 : memref<1x72x32xf32, #tpu.memory_space<vmem>> -> memref<72x32xf32, #tpu.memory_space<vmem>>
        %dma_start3A_971 = arith.constant 128 : i32
        %dma_start3A_972 = tpu.memref_slice %arg5[%add3A_888, %dma_start3A_971] : memref<128x200xi32, #tpu.memory_space<vmem>> -> memref<1x72xi32, #tpu.memory_space<vmem>>
        %dma_start3A_973 = tpu.memref_squeeze %dma_start3A_972 : memref<1x72xi32, #tpu.memory_space<vmem>> -> memref<72xi32, #tpu.memory_space<vmem>>
        %dma_start3A_974 = arith.constant 0 : i32
        %dma_start3A_975 = arith.constant 0 : i32
        %dma_start3A_976 = tpu.memref_slice %arg3[%dma_start3A_974, %dma_start3A_975] : memref<1000000x32xf32, #tpu.memory_space<hbm>> -> memref<1000000x32xf32, #tpu.memory_space<hbm>>
        tpu.enqueue_indirect_dma source(%dma_start3A_976 : memref<1000000x32xf32, #tpu.memory_space<hbm>>) target(%dma_start3A_970 : memref<72x32xf32, #tpu.memory_space<vmem>>) offsets(%dma_start3A_973 : memref<72xi32, #tpu.memory_space<vmem>>) semaphore(%arg9 : memref<!tpu.dma_semaphore, #tpu.memory_space<semaphore_mem>>)
      } else {
      }
      %mul3A_387 = arith.constant 4 : i32
      %mul3A_388 = arith.muli %mul3A_387, %scan3A_234 : i32
      %add3A_389 = arith.constant 1 : i32
      %add3A_390 = arith.addi %mul3A_388, %add3A_389 : i32
      %mul3A_391 = arith.constant 4 : i32
      %mul3A_392 = arith.muli %add3A_390, %mul3A_391 : i32
      %add3A_393 = arith.constant 0 : i32
      %add3A_394 = arith.addi %mul3A_392, %add3A_393 : i32
      %mul3A_395 = arith.constant 4 : i32
      %mul3A_396 = arith.muli %add3A_390, %mul3A_395 : i32
      %add3A_397 = arith.constant 0 : i32
      %add3A_398 = arith.addi %mul3A_396, %add3A_397 : i32
      %mul3A_399 = arith.constant 4 : i32
      %mul3A_400 = arith.muli %add3A_390, %mul3A_399 : i32
      %add3A_401 = arith.constant 1 : i32
      %add3A_402 = arith.addi %mul3A_400, %add3A_401 : i32
      %mul3A_403 = arith.constant 4 : i32
      %mul3A_404 = arith.muli %add3A_390, %mul3A_403 : i32
      %add3A_405 = arith.constant 1 : i32
      %add3A_406 = arith.addi %mul3A_404, %add3A_405 : i32
      %mul3A_407 = arith.constant 4 : i32
      %mul3A_408 = arith.muli %add3A_390, %mul3A_407 : i32
      %add3A_409 = arith.constant 2 : i32
      %add3A_410 = arith.addi %mul3A_408, %add3A_409 : i32
      %mul3A_411 = arith.constant 4 : i32
      %mul3A_412 = arith.muli %add3A_390, %mul3A_411 : i32
      %add3A_413 = arith.constant 2 : i32
      %add3A_414 = arith.addi %mul3A_412, %add3A_413 : i32
      %mul3A_415 = arith.constant 4 : i32
      %mul3A_416 = arith.muli %add3A_390, %mul3A_415 : i32
      %add3A_417 = arith.constant 3 : i32
      %add3A_418 = arith.addi %mul3A_416, %add3A_417 : i32
      %mul3A_419 = arith.constant 4 : i32
      %mul3A_420 = arith.muli %add3A_390, %mul3A_419 : i32
      %add3A_421 = arith.constant 3 : i32
      %add3A_422 = arith.addi %mul3A_420, %add3A_421 : i32
      %dma_wait3A_423 = arith.constant 1 : i32
      %dma_wait3A_424 = arith.constant 0 : i32
      %dma_wait3A_425 = arith.constant 0 : i32
      %dma_wait3A_426 = tpu.memref_slice %arg6[%dma_wait3A_423, %dma_wait3A_424, %dma_wait3A_425] : memref<4x800x32xf32, #tpu.memory_space<vmem>> -> memref<1x128x32xf32, #tpu.memory_space<vmem>>
      %dma_wait3A_427 = tpu.memref_squeeze %dma_wait3A_426 : memref<1x128x32xf32, #tpu.memory_space<vmem>> -> memref<128x32xf32, #tpu.memory_space<vmem>>
      %dma_wait3A_428 = arith.constant 0 : i32
      %dma_wait3A_429 = tpu.memref_slice %arg5[%add3A_394, %dma_wait3A_428] : memref<128x200xi32, #tpu.memory_space<vmem>> -> memref<1x128xi32, #tpu.memory_space<vmem>>
      %dma_wait3A_430 = tpu.memref_squeeze %dma_wait3A_429 : memref<1x128xi32, #tpu.memory_space<vmem>> -> memref<128xi32, #tpu.memory_space<vmem>>
      %dma_wait3A_431 = arith.constant 0 : i32
      %dma_wait3A_432 = arith.constant 0 : i32
      %dma_wait3A_433 = tpu.memref_slice %arg3[%dma_wait3A_431, %dma_wait3A_432] : memref<1000000x32xf32, #tpu.memory_space<hbm>> -> memref<1000000x32xf32, #tpu.memory_space<hbm>>
      tpu.wait_indirect_dma semaphore(%arg8 : memref<!tpu.dma_semaphore, #tpu.memory_space<semaphore_mem>>) src(%dma_wait3A_433 : memref<1000000x32xf32, #tpu.memory_space<hbm>>) dst(%dma_wait3A_427 : memref<128x32xf32, #tpu.memory_space<vmem>>)
      %dma_wait3A_434 = arith.constant 1 : i32
      %dma_wait3A_435 = arith.constant 128 : i32
      %dma_wait3A_436 = arith.constant 0 : i32
      %dma_wait3A_437 = tpu.memref_slice %arg6[%dma_wait3A_434, %dma_wait3A_435, %dma_wait3A_436] : memref<4x800x32xf32, #tpu.memory_space<vmem>> -> memref<1x72x32xf32, #tpu.memory_space<vmem>>
      %dma_wait3A_438 = tpu.memref_squeeze %dma_wait3A_437 : memref<1x72x32xf32, #tpu.memory_space<vmem>> -> memref<72x32xf32, #tpu.memory_space<vmem>>
      %dma_wait3A_439 = arith.constant 128 : i32
      %dma_wait3A_440 = tpu.memref_slice %arg5[%add3A_398, %dma_wait3A_439] : memref<128x200xi32, #tpu.memory_space<vmem>> -> memref<1x72xi32, #tpu.memory_space<vmem>>
      %dma_wait3A_441 = tpu.memref_squeeze %dma_wait3A_440 : memref<1x72xi32, #tpu.memory_space<vmem>> -> memref<72xi32, #tpu.memory_space<vmem>>
      %dma_wait3A_442 = arith.constant 0 : i32
      %dma_wait3A_443 = arith.constant 0 : i32
      %dma_wait3A_444 = tpu.memref_slice %arg3[%dma_wait3A_442, %dma_wait3A_443] : memref<1000000x32xf32, #tpu.memory_space<hbm>> -> memref<1000000x32xf32, #tpu.memory_space<hbm>>
      tpu.wait_indirect_dma semaphore(%arg8 : memref<!tpu.dma_semaphore, #tpu.memory_space<semaphore_mem>>) src(%dma_wait3A_444 : memref<1000000x32xf32, #tpu.memory_space<hbm>>) dst(%dma_wait3A_438 : memref<72x32xf32, #tpu.memory_space<vmem>>)
      %dma_wait3A_445 = arith.constant 1 : i32
      %dma_wait3A_446 = arith.constant 200 : i32
      %dma_wait3A_447 = arith.constant 0 : i32
      %dma_wait3A_448 = tpu.memref_slice %arg6[%dma_wait3A_445, %dma_wait3A_446, %dma_wait3A_447] : memref<4x800x32xf32, #tpu.memory_space<vmem>> -> memref<1x128x32xf32, #tpu.memory_space<vmem>>
      %dma_wait3A_449 = tpu.memref_squeeze %dma_wait3A_448 : memref<1x128x32xf32, #tpu.memory_space<vmem>> -> memref<128x32xf32, #tpu.memory_space<vmem>>
      %dma_wait3A_450 = arith.constant 0 : i32
      %dma_wait3A_451 = tpu.memref_slice %arg5[%add3A_402, %dma_wait3A_450] : memref<128x200xi32, #tpu.memory_space<vmem>> -> memref<1x128xi32, #tpu.memory_space<vmem>>
      %dma_wait3A_452 = tpu.memref_squeeze %dma_wait3A_451 : memref<1x128xi32, #tpu.memory_space<vmem>> -> memref<128xi32, #tpu.memory_space<vmem>>
      %dma_wait3A_453 = arith.constant 0 : i32
      %dma_wait3A_454 = arith.constant 0 : i32
      %dma_wait3A_455 = tpu.memref_slice %arg3[%dma_wait3A_453, %dma_wait3A_454] : memref<1000000x32xf32, #tpu.memory_space<hbm>> -> memref<1000000x32xf32, #tpu.memory_space<hbm>>
      tpu.wait_indirect_dma semaphore(%arg8 : memref<!tpu.dma_semaphore, #tpu.memory_space<semaphore_mem>>) src(%dma_wait3A_455 : memref<1000000x32xf32, #tpu.memory_space<hbm>>) dst(%dma_wait3A_449 : memref<128x32xf32, #tpu.memory_space<vmem>>)
      %dma_wait3A_456 = arith.constant 1 : i32
      %dma_wait3A_457 = arith.constant 328 : i32
      %dma_wait3A_458 = arith.constant 0 : i32
      %dma_wait3A_459 = tpu.memref_slice %arg6[%dma_wait3A_456, %dma_wait3A_457, %dma_wait3A_458] : memref<4x800x32xf32, #tpu.memory_space<vmem>> -> memref<1x72x32xf32, #tpu.memory_space<vmem>>
      %dma_wait3A_460 = tpu.memref_squeeze %dma_wait3A_459 : memref<1x72x32xf32, #tpu.memory_space<vmem>> -> memref<72x32xf32, #tpu.memory_space<vmem>>
      %dma_wait3A_461 = arith.constant 128 : i32
      %dma_wait3A_462 = tpu.memref_slice %arg5[%add3A_406, %dma_wait3A_461] : memref<128x200xi32, #tpu.memory_space<vmem>> -> memref<1x72xi32, #tpu.memory_space<vmem>>
      %dma_wait3A_463 = tpu.memref_squeeze %dma_wait3A_462 : memref<1x72xi32, #tpu.memory_space<vmem>> -> memref<72xi32, #tpu.memory_space<vmem>>
      %dma_wait3A_464 = arith.constant 0 : i32
      %dma_wait3A_465 = arith.constant 0 : i32
      %dma_wait3A_466 = tpu.memref_slice %arg3[%dma_wait3A_464, %dma_wait3A_465] : memref<1000000x32xf32, #tpu.memory_space<hbm>> -> memref<1000000x32xf32, #tpu.memory_space<hbm>>
      tpu.wait_indirect_dma semaphore(%arg8 : memref<!tpu.dma_semaphore, #tpu.memory_space<semaphore_mem>>) src(%dma_wait3A_466 : memref<1000000x32xf32, #tpu.memory_space<hbm>>) dst(%dma_wait3A_460 : memref<72x32xf32, #tpu.memory_space<vmem>>)
      %dma_wait3A_467 = arith.constant 1 : i32
      %dma_wait3A_468 = arith.constant 400 : i32
      %dma_wait3A_469 = arith.constant 0 : i32
      %dma_wait3A_470 = tpu.memref_slice %arg6[%dma_wait3A_467, %dma_wait3A_468, %dma_wait3A_469] : memref<4x800x32xf32, #tpu.memory_space<vmem>> -> memref<1x128x32xf32, #tpu.memory_space<vmem>>
      %dma_wait3A_471 = tpu.memref_squeeze %dma_wait3A_470 : memref<1x128x32xf32, #tpu.memory_space<vmem>> -> memref<128x32xf32, #tpu.memory_space<vmem>>
      %dma_wait3A_472 = arith.constant 0 : i32
      %dma_wait3A_473 = tpu.memref_slice %arg5[%add3A_410, %dma_wait3A_472] : memref<128x200xi32, #tpu.memory_space<vmem>> -> memref<1x128xi32, #tpu.memory_space<vmem>>
      %dma_wait3A_474 = tpu.memref_squeeze %dma_wait3A_473 : memref<1x128xi32, #tpu.memory_space<vmem>> -> memref<128xi32, #tpu.memory_space<vmem>>
      %dma_wait3A_475 = arith.constant 0 : i32
      %dma_wait3A_476 = arith.constant 0 : i32
      %dma_wait3A_477 = tpu.memref_slice %arg3[%dma_wait3A_475, %dma_wait3A_476] : memref<1000000x32xf32, #tpu.memory_space<hbm>> -> memref<1000000x32xf32, #tpu.memory_space<hbm>>
      tpu.wait_indirect_dma semaphore(%arg8 : memref<!tpu.dma_semaphore, #tpu.memory_space<semaphore_mem>>) src(%dma_wait3A_477 : memref<1000000x32xf32, #tpu.memory_space<hbm>>) dst(%dma_wait3A_471 : memref<128x32xf32, #tpu.memory_space<vmem>>)
      %dma_wait3A_478 = arith.constant 1 : i32
      %dma_wait3A_479 = arith.constant 528 : i32
      %dma_wait3A_480 = arith.constant 0 : i32
      %dma_wait3A_481 = tpu.memref_slice %arg6[%dma_wait3A_478, %dma_wait3A_479, %dma_wait3A_480] : memref<4x800x32xf32, #tpu.memory_space<vmem>> -> memref<1x72x32xf32, #tpu.memory_space<vmem>>
      %dma_wait3A_482 = tpu.memref_squeeze %dma_wait3A_481 : memref<1x72x32xf32, #tpu.memory_space<vmem>> -> memref<72x32xf32, #tpu.memory_space<vmem>>
      %dma_wait3A_483 = arith.constant 128 : i32
      %dma_wait3A_484 = tpu.memref_slice %arg5[%add3A_414, %dma_wait3A_483] : memref<128x200xi32, #tpu.memory_space<vmem>> -> memref<1x72xi32, #tpu.memory_space<vmem>>
      %dma_wait3A_485 = tpu.memref_squeeze %dma_wait3A_484 : memref<1x72xi32, #tpu.memory_space<vmem>> -> memref<72xi32, #tpu.memory_space<vmem>>
      %dma_wait3A_486 = arith.constant 0 : i32
      %dma_wait3A_487 = arith.constant 0 : i32
      %dma_wait3A_488 = tpu.memref_slice %arg3[%dma_wait3A_486, %dma_wait3A_487] : memref<1000000x32xf32, #tpu.memory_space<hbm>> -> memref<1000000x32xf32, #tpu.memory_space<hbm>>
      tpu.wait_indirect_dma semaphore(%arg8 : memref<!tpu.dma_semaphore, #tpu.memory_space<semaphore_mem>>) src(%dma_wait3A_488 : memref<1000000x32xf32, #tpu.memory_space<hbm>>) dst(%dma_wait3A_482 : memref<72x32xf32, #tpu.memory_space<vmem>>)
      %dma_wait3A_489 = arith.constant 1 : i32
      %dma_wait3A_490 = arith.constant 600 : i32
      %dma_wait3A_491 = arith.constant 0 : i32
      %dma_wait3A_492 = tpu.memref_slice %arg6[%dma_wait3A_489, %dma_wait3A_490, %dma_wait3A_491] : memref<4x800x32xf32, #tpu.memory_space<vmem>> -> memref<1x128x32xf32, #tpu.memory_space<vmem>>
      %dma_wait3A_493 = tpu.memref_squeeze %dma_wait3A_492 : memref<1x128x32xf32, #tpu.memory_space<vmem>> -> memref<128x32xf32, #tpu.memory_space<vmem>>
      %dma_wait3A_494 = arith.constant 0 : i32
      %dma_wait3A_495 = tpu.memref_slice %arg5[%add3A_418, %dma_wait3A_494] : memref<128x200xi32, #tpu.memory_space<vmem>> -> memref<1x128xi32, #tpu.memory_space<vmem>>
      %dma_wait3A_496 = tpu.memref_squeeze %dma_wait3A_495 : memref<1x128xi32, #tpu.memory_space<vmem>> -> memref<128xi32, #tpu.memory_space<vmem>>
      %dma_wait3A_497 = arith.constant 0 : i32
      %dma_wait3A_498 = arith.constant 0 : i32
      %dma_wait3A_499 = tpu.memref_slice %arg3[%dma_wait3A_497, %dma_wait3A_498] : memref<1000000x32xf32, #tpu.memory_space<hbm>> -> memref<1000000x32xf32, #tpu.memory_space<hbm>>
      tpu.wait_indirect_dma semaphore(%arg8 : memref<!tpu.dma_semaphore, #tpu.memory_space<semaphore_mem>>) src(%dma_wait3A_499 : memref<1000000x32xf32, #tpu.memory_space<hbm>>) dst(%dma_wait3A_493 : memref<128x32xf32, #tpu.memory_space<vmem>>)
      %dma_wait3A_500 = arith.constant 1 : i32
      %dma_wait3A_501 = arith.constant 728 : i32
      %dma_wait3A_502 = arith.constant 0 : i32
      %dma_wait3A_503 = tpu.memref_slice %arg6[%dma_wait3A_500, %dma_wait3A_501, %dma_wait3A_502] : memref<4x800x32xf32, #tpu.memory_space<vmem>> -> memref<1x72x32xf32, #tpu.memory_space<vmem>>
      %dma_wait3A_504 = tpu.memref_squeeze %dma_wait3A_503 : memref<1x72x32xf32, #tpu.memory_space<vmem>> -> memref<72x32xf32, #tpu.memory_space<vmem>>
      %dma_wait3A_505 = arith.constant 128 : i32
      %dma_wait3A_506 = tpu.memref_slice %arg5[%add3A_422, %dma_wait3A_505] : memref<128x200xi32, #tpu.memory_space<vmem>> -> memref<1x72xi32, #tpu.memory_space<vmem>>
      %dma_wait3A_507 = tpu.memref_squeeze %dma_wait3A_506 : memref<1x72xi32, #tpu.memory_space<vmem>> -> memref<72xi32, #tpu.memory_space<vmem>>
      %dma_wait3A_508 = arith.constant 0 : i32
      %dma_wait3A_509 = arith.constant 0 : i32
      %dma_wait3A_510 = tpu.memref_slice %arg3[%dma_wait3A_508, %dma_wait3A_509] : memref<1000000x32xf32, #tpu.memory_space<hbm>> -> memref<1000000x32xf32, #tpu.memory_space<hbm>>
      tpu.wait_indirect_dma semaphore(%arg8 : memref<!tpu.dma_semaphore, #tpu.memory_space<semaphore_mem>>) src(%dma_wait3A_510 : memref<1000000x32xf32, #tpu.memory_space<hbm>>) dst(%dma_wait3A_504 : memref<72x32xf32, #tpu.memory_space<vmem>>)
      %mul3A_511 = arith.constant 128 : i32
      %mul3A_512 = arith.muli %add3A, %mul3A_511 : i32
      %mul3A_513 = arith.constant 4 : i32
      %mul3A_514 = arith.muli %add3A_390, %mul3A_513 : i32
      %add3A_515 = arith.addi %mul3A_512, %mul3A_514 : i32
      %mul3A_516 = arith.constant 200 : i32
      %mul3A_517 = arith.muli %add3A_515, %mul3A_516 : i32
      %dma_start3A_518 = arith.constant 1 : i32
      %dma_start3A_519 = arith.constant 0 : i32
      %dma_start3A_520 = arith.constant 0 : i32
      %dma_start3A_521 = tpu.memref_slice %arg6[%dma_start3A_518, %dma_start3A_519, %dma_start3A_520] : memref<4x800x32xf32, #tpu.memory_space<vmem>> -> memref<1x800x32xf32, #tpu.memory_space<vmem>>
      %dma_start3A_522 = tpu.memref_squeeze %dma_start3A_521 : memref<1x800x32xf32, #tpu.memory_space<vmem>> -> memref<800x32xf32, #tpu.memory_space<vmem>>
      %dma_start3A_523 = arith.constant 0 : i32
      %dma_start3A_524 = tpu.memref_slice %arg4[%mul3A_517, %dma_start3A_523] : memref<819200x128xf32, #tpu.memory_space<hbm>> -> memref<800x32xf32, #tpu.memory_space<hbm>>
      %dma_start3A_525 = arith.constant 0 : i32
      %dma_start3A_526 = tpu.memref_slice %arg4[%mul3A_517, %dma_start3A_525] : memref<819200x128xf32, #tpu.memory_space<hbm>> -> memref<800x32xf32, #tpu.memory_space<hbm>>
      %dma_start3A_527 = arith.constant 0 : i32
      %dma_start3A_528 = arith.constant 0 : i32
      %dma_start3A_529 = tpu.memref_slice %arg6[%dma_start3A_518, %dma_start3A_527, %dma_start3A_528] : memref<4x800x32xf32, #tpu.memory_space<vmem>> -> memref<1x800x32xf32, #tpu.memory_space<vmem>>
      %dma_start3A_530 = tpu.memref_squeeze %dma_start3A_529 : memref<1x800x32xf32, #tpu.memory_space<vmem>> -> memref<800x32xf32, #tpu.memory_space<vmem>>
      tpu.enqueue_dma source(%dma_start3A_530 : memref<800x32xf32, #tpu.memory_space<vmem>>) target(%dma_start3A_526 : memref<800x32xf32, #tpu.memory_space<hbm>>) target_semaphore(%arg12 : memref<!tpu.dma_semaphore, #tpu.memory_space<semaphore_mem>>)
      %ge3A_531 = arith.constant 2 : i32
      %ge3A_532 = arith.cmpi sge, %add3A_390, %ge3A_531 : i32
      %convert_element_type3A_533 = arith.extui %ge3A_532 : i1 to i32
      %cond3A_534 = arith.constant 0 : i32
      %cond3A_535 = arith.cmpi ne, %convert_element_type3A_533, %cond3A_534 : i32
      scf.if %cond3A_535 {
        %sub3A = arith.constant 2 : i32
        %sub3A_855 = arith.subi %add3A_390, %sub3A : i32
        %mul3A_856 = arith.constant 128 : i32
        %mul3A_857 = arith.muli %add3A, %mul3A_856 : i32
        %mul3A_858 = arith.constant 4 : i32
        %mul3A_859 = arith.muli %sub3A_855, %mul3A_858 : i32
        %add3A_860 = arith.addi %mul3A_857, %mul3A_859 : i32
        %mul3A_861 = arith.constant 200 : i32
        %mul3A_862 = arith.muli %add3A_860, %mul3A_861 : i32
        %dma_wait3A_863 = arith.constant 3 : i32
        %dma_wait3A_864 = arith.constant 0 : i32
        %dma_wait3A_865 = arith.constant 0 : i32
        %dma_wait3A_866 = tpu.memref_slice %arg6[%dma_wait3A_863, %dma_wait3A_864, %dma_wait3A_865] : memref<4x800x32xf32, #tpu.memory_space<vmem>> -> memref<1x800x32xf32, #tpu.memory_space<vmem>>
        %dma_wait3A_867 = tpu.memref_squeeze %dma_wait3A_866 : memref<1x800x32xf32, #tpu.memory_space<vmem>> -> memref<800x32xf32, #tpu.memory_space<vmem>>
        %dma_wait3A_868 = arith.constant 0 : i32
        %dma_wait3A_869 = tpu.memref_slice %arg4[%mul3A_862, %dma_wait3A_868] : memref<819200x128xf32, #tpu.memory_space<hbm>> -> memref<800x32xf32, #tpu.memory_space<hbm>>
        %dma_wait3A_870 = arith.constant 0 : i32
        %dma_wait3A_871 = tpu.memref_slice %arg4[%mul3A_862, %dma_wait3A_870] : memref<819200x128xf32, #tpu.memory_space<hbm>> -> memref<800x32xf32, #tpu.memory_space<hbm>>
        %dma_wait3A_872 = arith.constant 0 : i32
        %dma_wait3A_873 = arith.constant 0 : i32
        %dma_wait3A_874 = tpu.memref_slice %arg6[%dma_wait3A_863, %dma_wait3A_872, %dma_wait3A_873] : memref<4x800x32xf32, #tpu.memory_space<vmem>> -> memref<1x800x32xf32, #tpu.memory_space<vmem>>
        %dma_wait3A_875 = tpu.memref_squeeze %dma_wait3A_874 : memref<1x800x32xf32, #tpu.memory_space<vmem>> -> memref<800x32xf32, #tpu.memory_space<vmem>>
        tpu.wait_dma2 semaphore(%arg14 : memref<!tpu.dma_semaphore, #tpu.memory_space<semaphore_mem>>) src(%dma_wait3A_875 : memref<800x32xf32, #tpu.memory_space<vmem>>) dst(%dma_wait3A_871 : memref<800x32xf32, #tpu.memory_space<hbm>>)
      } else {
      }
      %add3A_536 = arith.constant 2 : i32
      %add3A_537 = arith.addi %add3A_390, %add3A_536 : i32
      %lt3A_538 = arith.constant 32 : i32
      %lt3A_539 = arith.cmpi slt, %add3A_537, %lt3A_538 : i32
      %convert_element_type3A_540 = arith.extui %lt3A_539 : i1 to i32
      %cond3A_541 = arith.constant 0 : i32
      %cond3A_542 = arith.cmpi ne, %convert_element_type3A_540, %cond3A_541 : i32
      scf.if %cond3A_542 {
        %add3A_855 = arith.constant 2 : i32
        %add3A_856 = arith.addi %add3A_390, %add3A_855 : i32
        %mul3A_857 = arith.constant 4 : i32
        %mul3A_858 = arith.muli %add3A_856, %mul3A_857 : i32
        %add3A_859 = arith.constant 0 : i32
        %add3A_860 = arith.addi %mul3A_858, %add3A_859 : i32
        %mul3A_861 = arith.constant 4 : i32
        %mul3A_862 = arith.muli %add3A_856, %mul3A_861 : i32
        %add3A_863 = arith.constant 0 : i32
        %add3A_864 = arith.addi %mul3A_862, %add3A_863 : i32
        %mul3A_865 = arith.constant 4 : i32
        %mul3A_866 = arith.muli %add3A_856, %mul3A_865 : i32
        %add3A_867 = arith.constant 1 : i32
        %add3A_868 = arith.addi %mul3A_866, %add3A_867 : i32
        %mul3A_869 = arith.constant 4 : i32
        %mul3A_870 = arith.muli %add3A_856, %mul3A_869 : i32
        %add3A_871 = arith.constant 1 : i32
        %add3A_872 = arith.addi %mul3A_870, %add3A_871 : i32
        %mul3A_873 = arith.constant 4 : i32
        %mul3A_874 = arith.muli %add3A_856, %mul3A_873 : i32
        %add3A_875 = arith.constant 2 : i32
        %add3A_876 = arith.addi %mul3A_874, %add3A_875 : i32
        %mul3A_877 = arith.constant 4 : i32
        %mul3A_878 = arith.muli %add3A_856, %mul3A_877 : i32
        %add3A_879 = arith.constant 2 : i32
        %add3A_880 = arith.addi %mul3A_878, %add3A_879 : i32
        %mul3A_881 = arith.constant 4 : i32
        %mul3A_882 = arith.muli %add3A_856, %mul3A_881 : i32
        %add3A_883 = arith.constant 3 : i32
        %add3A_884 = arith.addi %mul3A_882, %add3A_883 : i32
        %mul3A_885 = arith.constant 4 : i32
        %mul3A_886 = arith.muli %add3A_856, %mul3A_885 : i32
        %add3A_887 = arith.constant 3 : i32
        %add3A_888 = arith.addi %mul3A_886, %add3A_887 : i32
        %dma_start3A_889 = arith.constant 3 : i32
        %dma_start3A_890 = arith.constant 0 : i32
        %dma_start3A_891 = arith.constant 0 : i32
        %dma_start3A_892 = tpu.memref_slice %arg6[%dma_start3A_889, %dma_start3A_890, %dma_start3A_891] : memref<4x800x32xf32, #tpu.memory_space<vmem>> -> memref<1x128x32xf32, #tpu.memory_space<vmem>>
        %dma_start3A_893 = tpu.memref_squeeze %dma_start3A_892 : memref<1x128x32xf32, #tpu.memory_space<vmem>> -> memref<128x32xf32, #tpu.memory_space<vmem>>
        %dma_start3A_894 = arith.constant 0 : i32
        %dma_start3A_895 = tpu.memref_slice %arg5[%add3A_860, %dma_start3A_894] : memref<128x200xi32, #tpu.memory_space<vmem>> -> memref<1x128xi32, #tpu.memory_space<vmem>>
        %dma_start3A_896 = tpu.memref_squeeze %dma_start3A_895 : memref<1x128xi32, #tpu.memory_space<vmem>> -> memref<128xi32, #tpu.memory_space<vmem>>
        %dma_start3A_897 = arith.constant 0 : i32
        %dma_start3A_898 = arith.constant 0 : i32
        %dma_start3A_899 = tpu.memref_slice %arg3[%dma_start3A_897, %dma_start3A_898] : memref<1000000x32xf32, #tpu.memory_space<hbm>> -> memref<1000000x32xf32, #tpu.memory_space<hbm>>
        tpu.enqueue_indirect_dma source(%dma_start3A_899 : memref<1000000x32xf32, #tpu.memory_space<hbm>>) target(%dma_start3A_893 : memref<128x32xf32, #tpu.memory_space<vmem>>) offsets(%dma_start3A_896 : memref<128xi32, #tpu.memory_space<vmem>>) semaphore(%arg10 : memref<!tpu.dma_semaphore, #tpu.memory_space<semaphore_mem>>)
        %dma_start3A_900 = arith.constant 3 : i32
        %dma_start3A_901 = arith.constant 128 : i32
        %dma_start3A_902 = arith.constant 0 : i32
        %dma_start3A_903 = tpu.memref_slice %arg6[%dma_start3A_900, %dma_start3A_901, %dma_start3A_902] : memref<4x800x32xf32, #tpu.memory_space<vmem>> -> memref<1x72x32xf32, #tpu.memory_space<vmem>>
        %dma_start3A_904 = tpu.memref_squeeze %dma_start3A_903 : memref<1x72x32xf32, #tpu.memory_space<vmem>> -> memref<72x32xf32, #tpu.memory_space<vmem>>
        %dma_start3A_905 = arith.constant 128 : i32
        %dma_start3A_906 = tpu.memref_slice %arg5[%add3A_864, %dma_start3A_905] : memref<128x200xi32, #tpu.memory_space<vmem>> -> memref<1x72xi32, #tpu.memory_space<vmem>>
        %dma_start3A_907 = tpu.memref_squeeze %dma_start3A_906 : memref<1x72xi32, #tpu.memory_space<vmem>> -> memref<72xi32, #tpu.memory_space<vmem>>
        %dma_start3A_908 = arith.constant 0 : i32
        %dma_start3A_909 = arith.constant 0 : i32
        %dma_start3A_910 = tpu.memref_slice %arg3[%dma_start3A_908, %dma_start3A_909] : memref<1000000x32xf32, #tpu.memory_space<hbm>> -> memref<1000000x32xf32, #tpu.memory_space<hbm>>
        tpu.enqueue_indirect_dma source(%dma_start3A_910 : memref<1000000x32xf32, #tpu.memory_space<hbm>>) target(%dma_start3A_904 : memref<72x32xf32, #tpu.memory_space<vmem>>) offsets(%dma_start3A_907 : memref<72xi32, #tpu.memory_space<vmem>>) semaphore(%arg10 : memref<!tpu.dma_semaphore, #tpu.memory_space<semaphore_mem>>)
        %dma_start3A_911 = arith.constant 3 : i32
        %dma_start3A_912 = arith.constant 200 : i32
        %dma_start3A_913 = arith.constant 0 : i32
        %dma_start3A_914 = tpu.memref_slice %arg6[%dma_start3A_911, %dma_start3A_912, %dma_start3A_913] : memref<4x800x32xf32, #tpu.memory_space<vmem>> -> memref<1x128x32xf32, #tpu.memory_space<vmem>>
        %dma_start3A_915 = tpu.memref_squeeze %dma_start3A_914 : memref<1x128x32xf32, #tpu.memory_space<vmem>> -> memref<128x32xf32, #tpu.memory_space<vmem>>
        %dma_start3A_916 = arith.constant 0 : i32
        %dma_start3A_917 = tpu.memref_slice %arg5[%add3A_868, %dma_start3A_916] : memref<128x200xi32, #tpu.memory_space<vmem>> -> memref<1x128xi32, #tpu.memory_space<vmem>>
        %dma_start3A_918 = tpu.memref_squeeze %dma_start3A_917 : memref<1x128xi32, #tpu.memory_space<vmem>> -> memref<128xi32, #tpu.memory_space<vmem>>
        %dma_start3A_919 = arith.constant 0 : i32
        %dma_start3A_920 = arith.constant 0 : i32
        %dma_start3A_921 = tpu.memref_slice %arg3[%dma_start3A_919, %dma_start3A_920] : memref<1000000x32xf32, #tpu.memory_space<hbm>> -> memref<1000000x32xf32, #tpu.memory_space<hbm>>
        tpu.enqueue_indirect_dma source(%dma_start3A_921 : memref<1000000x32xf32, #tpu.memory_space<hbm>>) target(%dma_start3A_915 : memref<128x32xf32, #tpu.memory_space<vmem>>) offsets(%dma_start3A_918 : memref<128xi32, #tpu.memory_space<vmem>>) semaphore(%arg10 : memref<!tpu.dma_semaphore, #tpu.memory_space<semaphore_mem>>)
        %dma_start3A_922 = arith.constant 3 : i32
        %dma_start3A_923 = arith.constant 328 : i32
        %dma_start3A_924 = arith.constant 0 : i32
        %dma_start3A_925 = tpu.memref_slice %arg6[%dma_start3A_922, %dma_start3A_923, %dma_start3A_924] : memref<4x800x32xf32, #tpu.memory_space<vmem>> -> memref<1x72x32xf32, #tpu.memory_space<vmem>>
        %dma_start3A_926 = tpu.memref_squeeze %dma_start3A_925 : memref<1x72x32xf32, #tpu.memory_space<vmem>> -> memref<72x32xf32, #tpu.memory_space<vmem>>
        %dma_start3A_927 = arith.constant 128 : i32
        %dma_start3A_928 = tpu.memref_slice %arg5[%add3A_872, %dma_start3A_927] : memref<128x200xi32, #tpu.memory_space<vmem>> -> memref<1x72xi32, #tpu.memory_space<vmem>>
        %dma_start3A_929 = tpu.memref_squeeze %dma_start3A_928 : memref<1x72xi32, #tpu.memory_space<vmem>> -> memref<72xi32, #tpu.memory_space<vmem>>
        %dma_start3A_930 = arith.constant 0 : i32
        %dma_start3A_931 = arith.constant 0 : i32
        %dma_start3A_932 = tpu.memref_slice %arg3[%dma_start3A_930, %dma_start3A_931] : memref<1000000x32xf32, #tpu.memory_space<hbm>> -> memref<1000000x32xf32, #tpu.memory_space<hbm>>
        tpu.enqueue_indirect_dma source(%dma_start3A_932 : memref<1000000x32xf32, #tpu.memory_space<hbm>>) target(%dma_start3A_926 : memref<72x32xf32, #tpu.memory_space<vmem>>) offsets(%dma_start3A_929 : memref<72xi32, #tpu.memory_space<vmem>>) semaphore(%arg10 : memref<!tpu.dma_semaphore, #tpu.memory_space<semaphore_mem>>)
        %dma_start3A_933 = arith.constant 3 : i32
        %dma_start3A_934 = arith.constant 400 : i32
        %dma_start3A_935 = arith.constant 0 : i32
        %dma_start3A_936 = tpu.memref_slice %arg6[%dma_start3A_933, %dma_start3A_934, %dma_start3A_935] : memref<4x800x32xf32, #tpu.memory_space<vmem>> -> memref<1x128x32xf32, #tpu.memory_space<vmem>>
        %dma_start3A_937 = tpu.memref_squeeze %dma_start3A_936 : memref<1x128x32xf32, #tpu.memory_space<vmem>> -> memref<128x32xf32, #tpu.memory_space<vmem>>
        %dma_start3A_938 = arith.constant 0 : i32
        %dma_start3A_939 = tpu.memref_slice %arg5[%add3A_876, %dma_start3A_938] : memref<128x200xi32, #tpu.memory_space<vmem>> -> memref<1x128xi32, #tpu.memory_space<vmem>>
        %dma_start3A_940 = tpu.memref_squeeze %dma_start3A_939 : memref<1x128xi32, #tpu.memory_space<vmem>> -> memref<128xi32, #tpu.memory_space<vmem>>
        %dma_start3A_941 = arith.constant 0 : i32
        %dma_start3A_942 = arith.constant 0 : i32
        %dma_start3A_943 = tpu.memref_slice %arg3[%dma_start3A_941, %dma_start3A_942] : memref<1000000x32xf32, #tpu.memory_space<hbm>> -> memref<1000000x32xf32, #tpu.memory_space<hbm>>
        tpu.enqueue_indirect_dma source(%dma_start3A_943 : memref<1000000x32xf32, #tpu.memory_space<hbm>>) target(%dma_start3A_937 : memref<128x32xf32, #tpu.memory_space<vmem>>) offsets(%dma_start3A_940 : memref<128xi32, #tpu.memory_space<vmem>>) semaphore(%arg10 : memref<!tpu.dma_semaphore, #tpu.memory_space<semaphore_mem>>)
        %dma_start3A_944 = arith.constant 3 : i32
        %dma_start3A_945 = arith.constant 528 : i32
        %dma_start3A_946 = arith.constant 0 : i32
        %dma_start3A_947 = tpu.memref_slice %arg6[%dma_start3A_944, %dma_start3A_945, %dma_start3A_946] : memref<4x800x32xf32, #tpu.memory_space<vmem>> -> memref<1x72x32xf32, #tpu.memory_space<vmem>>
        %dma_start3A_948 = tpu.memref_squeeze %dma_start3A_947 : memref<1x72x32xf32, #tpu.memory_space<vmem>> -> memref<72x32xf32, #tpu.memory_space<vmem>>
        %dma_start3A_949 = arith.constant 128 : i32
        %dma_start3A_950 = tpu.memref_slice %arg5[%add3A_880, %dma_start3A_949] : memref<128x200xi32, #tpu.memory_space<vmem>> -> memref<1x72xi32, #tpu.memory_space<vmem>>
        %dma_start3A_951 = tpu.memref_squeeze %dma_start3A_950 : memref<1x72xi32, #tpu.memory_space<vmem>> -> memref<72xi32, #tpu.memory_space<vmem>>
        %dma_start3A_952 = arith.constant 0 : i32
        %dma_start3A_953 = arith.constant 0 : i32
        %dma_start3A_954 = tpu.memref_slice %arg3[%dma_start3A_952, %dma_start3A_953] : memref<1000000x32xf32, #tpu.memory_space<hbm>> -> memref<1000000x32xf32, #tpu.memory_space<hbm>>
        tpu.enqueue_indirect_dma source(%dma_start3A_954 : memref<1000000x32xf32, #tpu.memory_space<hbm>>) target(%dma_start3A_948 : memref<72x32xf32, #tpu.memory_space<vmem>>) offsets(%dma_start3A_951 : memref<72xi32, #tpu.memory_space<vmem>>) semaphore(%arg10 : memref<!tpu.dma_semaphore, #tpu.memory_space<semaphore_mem>>)
        %dma_start3A_955 = arith.constant 3 : i32
        %dma_start3A_956 = arith.constant 600 : i32
        %dma_start3A_957 = arith.constant 0 : i32
        %dma_start3A_958 = tpu.memref_slice %arg6[%dma_start3A_955, %dma_start3A_956, %dma_start3A_957] : memref<4x800x32xf32, #tpu.memory_space<vmem>> -> memref<1x128x32xf32, #tpu.memory_space<vmem>>
        %dma_start3A_959 = tpu.memref_squeeze %dma_start3A_958 : memref<1x128x32xf32, #tpu.memory_space<vmem>> -> memref<128x32xf32, #tpu.memory_space<vmem>>
        %dma_start3A_960 = arith.constant 0 : i32
        %dma_start3A_961 = tpu.memref_slice %arg5[%add3A_884, %dma_start3A_960] : memref<128x200xi32, #tpu.memory_space<vmem>> -> memref<1x128xi32, #tpu.memory_space<vmem>>
        %dma_start3A_962 = tpu.memref_squeeze %dma_start3A_961 : memref<1x128xi32, #tpu.memory_space<vmem>> -> memref<128xi32, #tpu.memory_space<vmem>>
        %dma_start3A_963 = arith.constant 0 : i32
        %dma_start3A_964 = arith.constant 0 : i32
        %dma_start3A_965 = tpu.memref_slice %arg3[%dma_start3A_963, %dma_start3A_964] : memref<1000000x32xf32, #tpu.memory_space<hbm>> -> memref<1000000x32xf32, #tpu.memory_space<hbm>>
        tpu.enqueue_indirect_dma source(%dma_start3A_965 : memref<1000000x32xf32, #tpu.memory_space<hbm>>) target(%dma_start3A_959 : memref<128x32xf32, #tpu.memory_space<vmem>>) offsets(%dma_start3A_962 : memref<128xi32, #tpu.memory_space<vmem>>) semaphore(%arg10 : memref<!tpu.dma_semaphore, #tpu.memory_space<semaphore_mem>>)
        %dma_start3A_966 = arith.constant 3 : i32
        %dma_start3A_967 = arith.constant 728 : i32
        %dma_start3A_968 = arith.constant 0 : i32
        %dma_start3A_969 = tpu.memref_slice %arg6[%dma_start3A_966, %dma_start3A_967, %dma_start3A_968] : memref<4x800x32xf32, #tpu.memory_space<vmem>> -> memref<1x72x32xf32, #tpu.memory_space<vmem>>
        %dma_start3A_970 = tpu.memref_squeeze %dma_start3A_969 : memref<1x72x32xf32, #tpu.memory_space<vmem>> -> memref<72x32xf32, #tpu.memory_space<vmem>>
        %dma_start3A_971 = arith.constant 128 : i32
        %dma_start3A_972 = tpu.memref_slice %arg5[%add3A_888, %dma_start3A_971] : memref<128x200xi32, #tpu.memory_space<vmem>> -> memref<1x72xi32, #tpu.memory_space<vmem>>
        %dma_start3A_973 = tpu.memref_squeeze %dma_start3A_972 : memref<1x72xi32, #tpu.memory_space<vmem>> -> memref<72xi32, #tpu.memory_space<vmem>>
        %dma_start3A_974 = arith.constant 0 : i32
        %dma_start3A_975 = arith.constant 0 : i32
        %dma_start3A_976 = tpu.memref_slice %arg3[%dma_start3A_974, %dma_start3A_975] : memref<1000000x32xf32, #tpu.memory_space<hbm>> -> memref<1000000x32xf32, #tpu.memory_space<hbm>>
        tpu.enqueue_indirect_dma source(%dma_start3A_976 : memref<1000000x32xf32, #tpu.memory_space<hbm>>) target(%dma_start3A_970 : memref<72x32xf32, #tpu.memory_space<vmem>>) offsets(%dma_start3A_973 : memref<72xi32, #tpu.memory_space<vmem>>) semaphore(%arg10 : memref<!tpu.dma_semaphore, #tpu.memory_space<semaphore_mem>>)
      } else {
      }
      %mul3A_543 = arith.constant 4 : i32
      %mul3A_544 = arith.muli %mul3A_543, %scan3A_234 : i32
      %add3A_545 = arith.constant 2 : i32
      %add3A_546 = arith.addi %mul3A_544, %add3A_545 : i32
      %mul3A_547 = arith.constant 4 : i32
      %mul3A_548 = arith.muli %add3A_546, %mul3A_547 : i32
      %add3A_549 = arith.constant 0 : i32
      %add3A_550 = arith.addi %mul3A_548, %add3A_549 : i32
      %mul3A_551 = arith.constant 4 : i32
      %mul3A_552 = arith.muli %add3A_546, %mul3A_551 : i32
      %add3A_553 = arith.constant 0 : i32
      %add3A_554 = arith.addi %mul3A_552, %add3A_553 : i32
      %mul3A_555 = arith.constant 4 : i32
      %mul3A_556 = arith.muli %add3A_546, %mul3A_555 : i32
      %add3A_557 = arith.constant 1 : i32
      %add3A_558 = arith.addi %mul3A_556, %add3A_557 : i32
      %mul3A_559 = arith.constant 4 : i32
      %mul3A_560 = arith.muli %add3A_546, %mul3A_559 : i32
      %add3A_561 = arith.constant 1 : i32
      %add3A_562 = arith.addi %mul3A_560, %add3A_561 : i32
      %mul3A_563 = arith.constant 4 : i32
      %mul3A_564 = arith.muli %add3A_546, %mul3A_563 : i32
      %add3A_565 = arith.constant 2 : i32
      %add3A_566 = arith.addi %mul3A_564, %add3A_565 : i32
      %mul3A_567 = arith.constant 4 : i32
      %mul3A_568 = arith.muli %add3A_546, %mul3A_567 : i32
      %add3A_569 = arith.constant 2 : i32
      %add3A_570 = arith.addi %mul3A_568, %add3A_569 : i32
      %mul3A_571 = arith.constant 4 : i32
      %mul3A_572 = arith.muli %add3A_546, %mul3A_571 : i32
      %add3A_573 = arith.constant 3 : i32
      %add3A_574 = arith.addi %mul3A_572, %add3A_573 : i32
      %mul3A_575 = arith.constant 4 : i32
      %mul3A_576 = arith.muli %add3A_546, %mul3A_575 : i32
      %add3A_577 = arith.constant 3 : i32
      %add3A_578 = arith.addi %mul3A_576, %add3A_577 : i32
      %dma_wait3A_579 = arith.constant 2 : i32
      %dma_wait3A_580 = arith.constant 0 : i32
      %dma_wait3A_581 = arith.constant 0 : i32
      %dma_wait3A_582 = tpu.memref_slice %arg6[%dma_wait3A_579, %dma_wait3A_580, %dma_wait3A_581] : memref<4x800x32xf32, #tpu.memory_space<vmem>> -> memref<1x128x32xf32, #tpu.memory_space<vmem>>
      %dma_wait3A_583 = tpu.memref_squeeze %dma_wait3A_582 : memref<1x128x32xf32, #tpu.memory_space<vmem>> -> memref<128x32xf32, #tpu.memory_space<vmem>>
      %dma_wait3A_584 = arith.constant 0 : i32
      %dma_wait3A_585 = tpu.memref_slice %arg5[%add3A_550, %dma_wait3A_584] : memref<128x200xi32, #tpu.memory_space<vmem>> -> memref<1x128xi32, #tpu.memory_space<vmem>>
      %dma_wait3A_586 = tpu.memref_squeeze %dma_wait3A_585 : memref<1x128xi32, #tpu.memory_space<vmem>> -> memref<128xi32, #tpu.memory_space<vmem>>
      %dma_wait3A_587 = arith.constant 0 : i32
      %dma_wait3A_588 = arith.constant 0 : i32
      %dma_wait3A_589 = tpu.memref_slice %arg3[%dma_wait3A_587, %dma_wait3A_588] : memref<1000000x32xf32, #tpu.memory_space<hbm>> -> memref<1000000x32xf32, #tpu.memory_space<hbm>>
      tpu.wait_indirect_dma semaphore(%arg9 : memref<!tpu.dma_semaphore, #tpu.memory_space<semaphore_mem>>) src(%dma_wait3A_589 : memref<1000000x32xf32, #tpu.memory_space<hbm>>) dst(%dma_wait3A_583 : memref<128x32xf32, #tpu.memory_space<vmem>>)
      %dma_wait3A_590 = arith.constant 2 : i32
      %dma_wait3A_591 = arith.constant 128 : i32
      %dma_wait3A_592 = arith.constant 0 : i32
      %dma_wait3A_593 = tpu.memref_slice %arg6[%dma_wait3A_590, %dma_wait3A_591, %dma_wait3A_592] : memref<4x800x32xf32, #tpu.memory_space<vmem>> -> memref<1x72x32xf32, #tpu.memory_space<vmem>>
      %dma_wait3A_594 = tpu.memref_squeeze %dma_wait3A_593 : memref<1x72x32xf32, #tpu.memory_space<vmem>> -> memref<72x32xf32, #tpu.memory_space<vmem>>
      %dma_wait3A_595 = arith.constant 128 : i32
      %dma_wait3A_596 = tpu.memref_slice %arg5[%add3A_554, %dma_wait3A_595] : memref<128x200xi32, #tpu.memory_space<vmem>> -> memref<1x72xi32, #tpu.memory_space<vmem>>
      %dma_wait3A_597 = tpu.memref_squeeze %dma_wait3A_596 : memref<1x72xi32, #tpu.memory_space<vmem>> -> memref<72xi32, #tpu.memory_space<vmem>>
      %dma_wait3A_598 = arith.constant 0 : i32
      %dma_wait3A_599 = arith.constant 0 : i32
      %dma_wait3A_600 = tpu.memref_slice %arg3[%dma_wait3A_598, %dma_wait3A_599] : memref<1000000x32xf32, #tpu.memory_space<hbm>> -> memref<1000000x32xf32, #tpu.memory_space<hbm>>
      tpu.wait_indirect_dma semaphore(%arg9 : memref<!tpu.dma_semaphore, #tpu.memory_space<semaphore_mem>>) src(%dma_wait3A_600 : memref<1000000x32xf32, #tpu.memory_space<hbm>>) dst(%dma_wait3A_594 : memref<72x32xf32, #tpu.memory_space<vmem>>)
      %dma_wait3A_601 = arith.constant 2 : i32
      %dma_wait3A_602 = arith.constant 200 : i32
      %dma_wait3A_603 = arith.constant 0 : i32
      %dma_wait3A_604 = tpu.memref_slice %arg6[%dma_wait3A_601, %dma_wait3A_602, %dma_wait3A_603] : memref<4x800x32xf32, #tpu.memory_space<vmem>> -> memref<1x128x32xf32, #tpu.memory_space<vmem>>
      %dma_wait3A_605 = tpu.memref_squeeze %dma_wait3A_604 : memref<1x128x32xf32, #tpu.memory_space<vmem>> -> memref<128x32xf32, #tpu.memory_space<vmem>>
      %dma_wait3A_606 = arith.constant 0 : i32
      %dma_wait3A_607 = tpu.memref_slice %arg5[%add3A_558, %dma_wait3A_606] : memref<128x200xi32, #tpu.memory_space<vmem>> -> memref<1x128xi32, #tpu.memory_space<vmem>>
      %dma_wait3A_608 = tpu.memref_squeeze %dma_wait3A_607 : memref<1x128xi32, #tpu.memory_space<vmem>> -> memref<128xi32, #tpu.memory_space<vmem>>
      %dma_wait3A_609 = arith.constant 0 : i32
      %dma_wait3A_610 = arith.constant 0 : i32
      %dma_wait3A_611 = tpu.memref_slice %arg3[%dma_wait3A_609, %dma_wait3A_610] : memref<1000000x32xf32, #tpu.memory_space<hbm>> -> memref<1000000x32xf32, #tpu.memory_space<hbm>>
      tpu.wait_indirect_dma semaphore(%arg9 : memref<!tpu.dma_semaphore, #tpu.memory_space<semaphore_mem>>) src(%dma_wait3A_611 : memref<1000000x32xf32, #tpu.memory_space<hbm>>) dst(%dma_wait3A_605 : memref<128x32xf32, #tpu.memory_space<vmem>>)
      %dma_wait3A_612 = arith.constant 2 : i32
      %dma_wait3A_613 = arith.constant 328 : i32
      %dma_wait3A_614 = arith.constant 0 : i32
      %dma_wait3A_615 = tpu.memref_slice %arg6[%dma_wait3A_612, %dma_wait3A_613, %dma_wait3A_614] : memref<4x800x32xf32, #tpu.memory_space<vmem>> -> memref<1x72x32xf32, #tpu.memory_space<vmem>>
      %dma_wait3A_616 = tpu.memref_squeeze %dma_wait3A_615 : memref<1x72x32xf32, #tpu.memory_space<vmem>> -> memref<72x32xf32, #tpu.memory_space<vmem>>
      %dma_wait3A_617 = arith.constant 128 : i32
      %dma_wait3A_618 = tpu.memref_slice %arg5[%add3A_562, %dma_wait3A_617] : memref<128x200xi32, #tpu.memory_space<vmem>> -> memref<1x72xi32, #tpu.memory_space<vmem>>
      %dma_wait3A_619 = tpu.memref_squeeze %dma_wait3A_618 : memref<1x72xi32, #tpu.memory_space<vmem>> -> memref<72xi32, #tpu.memory_space<vmem>>
      %dma_wait3A_620 = arith.constant 0 : i32
      %dma_wait3A_621 = arith.constant 0 : i32
      %dma_wait3A_622 = tpu.memref_slice %arg3[%dma_wait3A_620, %dma_wait3A_621] : memref<1000000x32xf32, #tpu.memory_space<hbm>> -> memref<1000000x32xf32, #tpu.memory_space<hbm>>
      tpu.wait_indirect_dma semaphore(%arg9 : memref<!tpu.dma_semaphore, #tpu.memory_space<semaphore_mem>>) src(%dma_wait3A_622 : memref<1000000x32xf32, #tpu.memory_space<hbm>>) dst(%dma_wait3A_616 : memref<72x32xf32, #tpu.memory_space<vmem>>)
      %dma_wait3A_623 = arith.constant 2 : i32
      %dma_wait3A_624 = arith.constant 400 : i32
      %dma_wait3A_625 = arith.constant 0 : i32
      %dma_wait3A_626 = tpu.memref_slice %arg6[%dma_wait3A_623, %dma_wait3A_624, %dma_wait3A_625] : memref<4x800x32xf32, #tpu.memory_space<vmem>> -> memref<1x128x32xf32, #tpu.memory_space<vmem>>
      %dma_wait3A_627 = tpu.memref_squeeze %dma_wait3A_626 : memref<1x128x32xf32, #tpu.memory_space<vmem>> -> memref<128x32xf32, #tpu.memory_space<vmem>>
      %dma_wait3A_628 = arith.constant 0 : i32
      %dma_wait3A_629 = tpu.memref_slice %arg5[%add3A_566, %dma_wait3A_628] : memref<128x200xi32, #tpu.memory_space<vmem>> -> memref<1x128xi32, #tpu.memory_space<vmem>>
      %dma_wait3A_630 = tpu.memref_squeeze %dma_wait3A_629 : memref<1x128xi32, #tpu.memory_space<vmem>> -> memref<128xi32, #tpu.memory_space<vmem>>
      %dma_wait3A_631 = arith.constant 0 : i32
      %dma_wait3A_632 = arith.constant 0 : i32
      %dma_wait3A_633 = tpu.memref_slice %arg3[%dma_wait3A_631, %dma_wait3A_632] : memref<1000000x32xf32, #tpu.memory_space<hbm>> -> memref<1000000x32xf32, #tpu.memory_space<hbm>>
      tpu.wait_indirect_dma semaphore(%arg9 : memref<!tpu.dma_semaphore, #tpu.memory_space<semaphore_mem>>) src(%dma_wait3A_633 : memref<1000000x32xf32, #tpu.memory_space<hbm>>) dst(%dma_wait3A_627 : memref<128x32xf32, #tpu.memory_space<vmem>>)
      %dma_wait3A_634 = arith.constant 2 : i32
      %dma_wait3A_635 = arith.constant 528 : i32
      %dma_wait3A_636 = arith.constant 0 : i32
      %dma_wait3A_637 = tpu.memref_slice %arg6[%dma_wait3A_634, %dma_wait3A_635, %dma_wait3A_636] : memref<4x800x32xf32, #tpu.memory_space<vmem>> -> memref<1x72x32xf32, #tpu.memory_space<vmem>>
      %dma_wait3A_638 = tpu.memref_squeeze %dma_wait3A_637 : memref<1x72x32xf32, #tpu.memory_space<vmem>> -> memref<72x32xf32, #tpu.memory_space<vmem>>
      %dma_wait3A_639 = arith.constant 128 : i32
      %dma_wait3A_640 = tpu.memref_slice %arg5[%add3A_570, %dma_wait3A_639] : memref<128x200xi32, #tpu.memory_space<vmem>> -> memref<1x72xi32, #tpu.memory_space<vmem>>
      %dma_wait3A_641 = tpu.memref_squeeze %dma_wait3A_640 : memref<1x72xi32, #tpu.memory_space<vmem>> -> memref<72xi32, #tpu.memory_space<vmem>>
      %dma_wait3A_642 = arith.constant 0 : i32
      %dma_wait3A_643 = arith.constant 0 : i32
      %dma_wait3A_644 = tpu.memref_slice %arg3[%dma_wait3A_642, %dma_wait3A_643] : memref<1000000x32xf32, #tpu.memory_space<hbm>> -> memref<1000000x32xf32, #tpu.memory_space<hbm>>
      tpu.wait_indirect_dma semaphore(%arg9 : memref<!tpu.dma_semaphore, #tpu.memory_space<semaphore_mem>>) src(%dma_wait3A_644 : memref<1000000x32xf32, #tpu.memory_space<hbm>>) dst(%dma_wait3A_638 : memref<72x32xf32, #tpu.memory_space<vmem>>)
      %dma_wait3A_645 = arith.constant 2 : i32
      %dma_wait3A_646 = arith.constant 600 : i32
      %dma_wait3A_647 = arith.constant 0 : i32
      %dma_wait3A_648 = tpu.memref_slice %arg6[%dma_wait3A_645, %dma_wait3A_646, %dma_wait3A_647] : memref<4x800x32xf32, #tpu.memory_space<vmem>> -> memref<1x128x32xf32, #tpu.memory_space<vmem>>
      %dma_wait3A_649 = tpu.memref_squeeze %dma_wait3A_648 : memref<1x128x32xf32, #tpu.memory_space<vmem>> -> memref<128x32xf32, #tpu.memory_space<vmem>>
      %dma_wait3A_650 = arith.constant 0 : i32
      %dma_wait3A_651 = tpu.memref_slice %arg5[%add3A_574, %dma_wait3A_650] : memref<128x200xi32, #tpu.memory_space<vmem>> -> memref<1x128xi32, #tpu.memory_space<vmem>>
      %dma_wait3A_652 = tpu.memref_squeeze %dma_wait3A_651 : memref<1x128xi32, #tpu.memory_space<vmem>> -> memref<128xi32, #tpu.memory_space<vmem>>
      %dma_wait3A_653 = arith.constant 0 : i32
      %dma_wait3A_654 = arith.constant 0 : i32
      %dma_wait3A_655 = tpu.memref_slice %arg3[%dma_wait3A_653, %dma_wait3A_654] : memref<1000000x32xf32, #tpu.memory_space<hbm>> -> memref<1000000x32xf32, #tpu.memory_space<hbm>>
      tpu.wait_indirect_dma semaphore(%arg9 : memref<!tpu.dma_semaphore, #tpu.memory_space<semaphore_mem>>) src(%dma_wait3A_655 : memref<1000000x32xf32, #tpu.memory_space<hbm>>) dst(%dma_wait3A_649 : memref<128x32xf32, #tpu.memory_space<vmem>>)
      %dma_wait3A_656 = arith.constant 2 : i32
      %dma_wait3A_657 = arith.constant 728 : i32
      %dma_wait3A_658 = arith.constant 0 : i32
      %dma_wait3A_659 = tpu.memref_slice %arg6[%dma_wait3A_656, %dma_wait3A_657, %dma_wait3A_658] : memref<4x800x32xf32, #tpu.memory_space<vmem>> -> memref<1x72x32xf32, #tpu.memory_space<vmem>>
      %dma_wait3A_660 = tpu.memref_squeeze %dma_wait3A_659 : memref<1x72x32xf32, #tpu.memory_space<vmem>> -> memref<72x32xf32, #tpu.memory_space<vmem>>
      %dma_wait3A_661 = arith.constant 128 : i32
      %dma_wait3A_662 = tpu.memref_slice %arg5[%add3A_578, %dma_wait3A_661] : memref<128x200xi32, #tpu.memory_space<vmem>> -> memref<1x72xi32, #tpu.memory_space<vmem>>
      %dma_wait3A_663 = tpu.memref_squeeze %dma_wait3A_662 : memref<1x72xi32, #tpu.memory_space<vmem>> -> memref<72xi32, #tpu.memory_space<vmem>>
      %dma_wait3A_664 = arith.constant 0 : i32
      %dma_wait3A_665 = arith.constant 0 : i32
      %dma_wait3A_666 = tpu.memref_slice %arg3[%dma_wait3A_664, %dma_wait3A_665] : memref<1000000x32xf32, #tpu.memory_space<hbm>> -> memref<1000000x32xf32, #tpu.memory_space<hbm>>
      tpu.wait_indirect_dma semaphore(%arg9 : memref<!tpu.dma_semaphore, #tpu.memory_space<semaphore_mem>>) src(%dma_wait3A_666 : memref<1000000x32xf32, #tpu.memory_space<hbm>>) dst(%dma_wait3A_660 : memref<72x32xf32, #tpu.memory_space<vmem>>)
      %mul3A_667 = arith.constant 128 : i32
      %mul3A_668 = arith.muli %add3A, %mul3A_667 : i32
      %mul3A_669 = arith.constant 4 : i32
      %mul3A_670 = arith.muli %add3A_546, %mul3A_669 : i32
      %add3A_671 = arith.addi %mul3A_668, %mul3A_670 : i32
      %mul3A_672 = arith.constant 200 : i32
      %mul3A_673 = arith.muli %add3A_671, %mul3A_672 : i32
      %dma_start3A_674 = arith.constant 2 : i32
      %dma_start3A_675 = arith.constant 0 : i32
      %dma_start3A_676 = arith.constant 0 : i32
      %dma_start3A_677 = tpu.memref_slice %arg6[%dma_start3A_674, %dma_start3A_675, %dma_start3A_676] : memref<4x800x32xf32, #tpu.memory_space<vmem>> -> memref<1x800x32xf32, #tpu.memory_space<vmem>>
      %dma_start3A_678 = tpu.memref_squeeze %dma_start3A_677 : memref<1x800x32xf32, #tpu.memory_space<vmem>> -> memref<800x32xf32, #tpu.memory_space<vmem>>
      %dma_start3A_679 = arith.constant 0 : i32
      %dma_start3A_680 = tpu.memref_slice %arg4[%mul3A_673, %dma_start3A_679] : memref<819200x128xf32, #tpu.memory_space<hbm>> -> memref<800x32xf32, #tpu.memory_space<hbm>>
      %dma_start3A_681 = arith.constant 0 : i32
      %dma_start3A_682 = tpu.memref_slice %arg4[%mul3A_673, %dma_start3A_681] : memref<819200x128xf32, #tpu.memory_space<hbm>> -> memref<800x32xf32, #tpu.memory_space<hbm>>
      %dma_start3A_683 = arith.constant 0 : i32
      %dma_start3A_684 = arith.constant 0 : i32
      %dma_start3A_685 = tpu.memref_slice %arg6[%dma_start3A_674, %dma_start3A_683, %dma_start3A_684] : memref<4x800x32xf32, #tpu.memory_space<vmem>> -> memref<1x800x32xf32, #tpu.memory_space<vmem>>
      %dma_start3A_686 = tpu.memref_squeeze %dma_start3A_685 : memref<1x800x32xf32, #tpu.memory_space<vmem>> -> memref<800x32xf32, #tpu.memory_space<vmem>>
      tpu.enqueue_dma source(%dma_start3A_686 : memref<800x32xf32, #tpu.memory_space<vmem>>) target(%dma_start3A_682 : memref<800x32xf32, #tpu.memory_space<hbm>>) target_semaphore(%arg13 : memref<!tpu.dma_semaphore, #tpu.memory_space<semaphore_mem>>)
      %ge3A_687 = arith.constant 2 : i32
      %ge3A_688 = arith.cmpi sge, %add3A_546, %ge3A_687 : i32
      %convert_element_type3A_689 = arith.extui %ge3A_688 : i1 to i32
      %cond3A_690 = arith.constant 0 : i32
      %cond3A_691 = arith.cmpi ne, %convert_element_type3A_689, %cond3A_690 : i32
      scf.if %cond3A_691 {
        %sub3A = arith.constant 2 : i32
        %sub3A_855 = arith.subi %add3A_546, %sub3A : i32
        %mul3A_856 = arith.constant 128 : i32
        %mul3A_857 = arith.muli %add3A, %mul3A_856 : i32
        %mul3A_858 = arith.constant 4 : i32
        %mul3A_859 = arith.muli %sub3A_855, %mul3A_858 : i32
        %add3A_860 = arith.addi %mul3A_857, %mul3A_859 : i32
        %mul3A_861 = arith.constant 200 : i32
        %mul3A_862 = arith.muli %add3A_860, %mul3A_861 : i32
        %dma_wait3A_863 = arith.constant 0 : i32
        %dma_wait3A_864 = arith.constant 0 : i32
        %dma_wait3A_865 = arith.constant 0 : i32
        %dma_wait3A_866 = tpu.memref_slice %arg6[%dma_wait3A_863, %dma_wait3A_864, %dma_wait3A_865] : memref<4x800x32xf32, #tpu.memory_space<vmem>> -> memref<1x800x32xf32, #tpu.memory_space<vmem>>
        %dma_wait3A_867 = tpu.memref_squeeze %dma_wait3A_866 : memref<1x800x32xf32, #tpu.memory_space<vmem>> -> memref<800x32xf32, #tpu.memory_space<vmem>>
        %dma_wait3A_868 = arith.constant 0 : i32
        %dma_wait3A_869 = tpu.memref_slice %arg4[%mul3A_862, %dma_wait3A_868] : memref<819200x128xf32, #tpu.memory_space<hbm>> -> memref<800x32xf32, #tpu.memory_space<hbm>>
        %dma_wait3A_870 = arith.constant 0 : i32
        %dma_wait3A_871 = tpu.memref_slice %arg4[%mul3A_862, %dma_wait3A_870] : memref<819200x128xf32, #tpu.memory_space<hbm>> -> memref<800x32xf32, #tpu.memory_space<hbm>>
        %dma_wait3A_872 = arith.constant 0 : i32
        %dma_wait3A_873 = arith.constant 0 : i32
        %dma_wait3A_874 = tpu.memref_slice %arg6[%dma_wait3A_863, %dma_wait3A_872, %dma_wait3A_873] : memref<4x800x32xf32, #tpu.memory_space<vmem>> -> memref<1x800x32xf32, #tpu.memory_space<vmem>>
        %dma_wait3A_875 = tpu.memref_squeeze %dma_wait3A_874 : memref<1x800x32xf32, #tpu.memory_space<vmem>> -> memref<800x32xf32, #tpu.memory_space<vmem>>
        tpu.wait_dma2 semaphore(%arg11 : memref<!tpu.dma_semaphore, #tpu.memory_space<semaphore_mem>>) src(%dma_wait3A_875 : memref<800x32xf32, #tpu.memory_space<vmem>>) dst(%dma_wait3A_871 : memref<800x32xf32, #tpu.memory_space<hbm>>)
      } else {
      }
      %add3A_692 = arith.constant 2 : i32
      %add3A_693 = arith.addi %add3A_546, %add3A_692 : i32
      %lt3A_694 = arith.constant 32 : i32
      %lt3A_695 = arith.cmpi slt, %add3A_693, %lt3A_694 : i32
      %convert_element_type3A_696 = arith.extui %lt3A_695 : i1 to i32
      %cond3A_697 = arith.constant 0 : i32
      %cond3A_698 = arith.cmpi ne, %convert_element_type3A_696, %cond3A_697 : i32
      scf.if %cond3A_698 {
        %add3A_855 = arith.constant 2 : i32
        %add3A_856 = arith.addi %add3A_546, %add3A_855 : i32
        %mul3A_857 = arith.constant 4 : i32
        %mul3A_858 = arith.muli %add3A_856, %mul3A_857 : i32
        %add3A_859 = arith.constant 0 : i32
        %add3A_860 = arith.addi %mul3A_858, %add3A_859 : i32
        %mul3A_861 = arith.constant 4 : i32
        %mul3A_862 = arith.muli %add3A_856, %mul3A_861 : i32
        %add3A_863 = arith.constant 0 : i32
        %add3A_864 = arith.addi %mul3A_862, %add3A_863 : i32
        %mul3A_865 = arith.constant 4 : i32
        %mul3A_866 = arith.muli %add3A_856, %mul3A_865 : i32
        %add3A_867 = arith.constant 1 : i32
        %add3A_868 = arith.addi %mul3A_866, %add3A_867 : i32
        %mul3A_869 = arith.constant 4 : i32
        %mul3A_870 = arith.muli %add3A_856, %mul3A_869 : i32
        %add3A_871 = arith.constant 1 : i32
        %add3A_872 = arith.addi %mul3A_870, %add3A_871 : i32
        %mul3A_873 = arith.constant 4 : i32
        %mul3A_874 = arith.muli %add3A_856, %mul3A_873 : i32
        %add3A_875 = arith.constant 2 : i32
        %add3A_876 = arith.addi %mul3A_874, %add3A_875 : i32
        %mul3A_877 = arith.constant 4 : i32
        %mul3A_878 = arith.muli %add3A_856, %mul3A_877 : i32
        %add3A_879 = arith.constant 2 : i32
        %add3A_880 = arith.addi %mul3A_878, %add3A_879 : i32
        %mul3A_881 = arith.constant 4 : i32
        %mul3A_882 = arith.muli %add3A_856, %mul3A_881 : i32
        %add3A_883 = arith.constant 3 : i32
        %add3A_884 = arith.addi %mul3A_882, %add3A_883 : i32
        %mul3A_885 = arith.constant 4 : i32
        %mul3A_886 = arith.muli %add3A_856, %mul3A_885 : i32
        %add3A_887 = arith.constant 3 : i32
        %add3A_888 = arith.addi %mul3A_886, %add3A_887 : i32
        %dma_start3A_889 = arith.constant 0 : i32
        %dma_start3A_890 = arith.constant 0 : i32
        %dma_start3A_891 = arith.constant 0 : i32
        %dma_start3A_892 = tpu.memref_slice %arg6[%dma_start3A_889, %dma_start3A_890, %dma_start3A_891] : memref<4x800x32xf32, #tpu.memory_space<vmem>> -> memref<1x128x32xf32, #tpu.memory_space<vmem>>
        %dma_start3A_893 = tpu.memref_squeeze %dma_start3A_892 : memref<1x128x32xf32, #tpu.memory_space<vmem>> -> memref<128x32xf32, #tpu.memory_space<vmem>>
        %dma_start3A_894 = arith.constant 0 : i32
        %dma_start3A_895 = tpu.memref_slice %arg5[%add3A_860, %dma_start3A_894] : memref<128x200xi32, #tpu.memory_space<vmem>> -> memref<1x128xi32, #tpu.memory_space<vmem>>
        %dma_start3A_896 = tpu.memref_squeeze %dma_start3A_895 : memref<1x128xi32, #tpu.memory_space<vmem>> -> memref<128xi32, #tpu.memory_space<vmem>>
        %dma_start3A_897 = arith.constant 0 : i32
        %dma_start3A_898 = arith.constant 0 : i32
        %dma_start3A_899 = tpu.memref_slice %arg3[%dma_start3A_897, %dma_start3A_898] : memref<1000000x32xf32, #tpu.memory_space<hbm>> -> memref<1000000x32xf32, #tpu.memory_space<hbm>>
        tpu.enqueue_indirect_dma source(%dma_start3A_899 : memref<1000000x32xf32, #tpu.memory_space<hbm>>) target(%dma_start3A_893 : memref<128x32xf32, #tpu.memory_space<vmem>>) offsets(%dma_start3A_896 : memref<128xi32, #tpu.memory_space<vmem>>) semaphore(%arg7 : memref<!tpu.dma_semaphore, #tpu.memory_space<semaphore_mem>>)
        %dma_start3A_900 = arith.constant 0 : i32
        %dma_start3A_901 = arith.constant 128 : i32
        %dma_start3A_902 = arith.constant 0 : i32
        %dma_start3A_903 = tpu.memref_slice %arg6[%dma_start3A_900, %dma_start3A_901, %dma_start3A_902] : memref<4x800x32xf32, #tpu.memory_space<vmem>> -> memref<1x72x32xf32, #tpu.memory_space<vmem>>
        %dma_start3A_904 = tpu.memref_squeeze %dma_start3A_903 : memref<1x72x32xf32, #tpu.memory_space<vmem>> -> memref<72x32xf32, #tpu.memory_space<vmem>>
        %dma_start3A_905 = arith.constant 128 : i32
        %dma_start3A_906 = tpu.memref_slice %arg5[%add3A_864, %dma_start3A_905] : memref<128x200xi32, #tpu.memory_space<vmem>> -> memref<1x72xi32, #tpu.memory_space<vmem>>
        %dma_start3A_907 = tpu.memref_squeeze %dma_start3A_906 : memref<1x72xi32, #tpu.memory_space<vmem>> -> memref<72xi32, #tpu.memory_space<vmem>>
        %dma_start3A_908 = arith.constant 0 : i32
        %dma_start3A_909 = arith.constant 0 : i32
        %dma_start3A_910 = tpu.memref_slice %arg3[%dma_start3A_908, %dma_start3A_909] : memref<1000000x32xf32, #tpu.memory_space<hbm>> -> memref<1000000x32xf32, #tpu.memory_space<hbm>>
        tpu.enqueue_indirect_dma source(%dma_start3A_910 : memref<1000000x32xf32, #tpu.memory_space<hbm>>) target(%dma_start3A_904 : memref<72x32xf32, #tpu.memory_space<vmem>>) offsets(%dma_start3A_907 : memref<72xi32, #tpu.memory_space<vmem>>) semaphore(%arg7 : memref<!tpu.dma_semaphore, #tpu.memory_space<semaphore_mem>>)
        %dma_start3A_911 = arith.constant 0 : i32
        %dma_start3A_912 = arith.constant 200 : i32
        %dma_start3A_913 = arith.constant 0 : i32
        %dma_start3A_914 = tpu.memref_slice %arg6[%dma_start3A_911, %dma_start3A_912, %dma_start3A_913] : memref<4x800x32xf32, #tpu.memory_space<vmem>> -> memref<1x128x32xf32, #tpu.memory_space<vmem>>
        %dma_start3A_915 = tpu.memref_squeeze %dma_start3A_914 : memref<1x128x32xf32, #tpu.memory_space<vmem>> -> memref<128x32xf32, #tpu.memory_space<vmem>>
        %dma_start3A_916 = arith.constant 0 : i32
        %dma_start3A_917 = tpu.memref_slice %arg5[%add3A_868, %dma_start3A_916] : memref<128x200xi32, #tpu.memory_space<vmem>> -> memref<1x128xi32, #tpu.memory_space<vmem>>
        %dma_start3A_918 = tpu.memref_squeeze %dma_start3A_917 : memref<1x128xi32, #tpu.memory_space<vmem>> -> memref<128xi32, #tpu.memory_space<vmem>>
        %dma_start3A_919 = arith.constant 0 : i32
        %dma_start3A_920 = arith.constant 0 : i32
        %dma_start3A_921 = tpu.memref_slice %arg3[%dma_start3A_919, %dma_start3A_920] : memref<1000000x32xf32, #tpu.memory_space<hbm>> -> memref<1000000x32xf32, #tpu.memory_space<hbm>>
        tpu.enqueue_indirect_dma source(%dma_start3A_921 : memref<1000000x32xf32, #tpu.memory_space<hbm>>) target(%dma_start3A_915 : memref<128x32xf32, #tpu.memory_space<vmem>>) offsets(%dma_start3A_918 : memref<128xi32, #tpu.memory_space<vmem>>) semaphore(%arg7 : memref<!tpu.dma_semaphore, #tpu.memory_space<semaphore_mem>>)
        %dma_start3A_922 = arith.constant 0 : i32
        %dma_start3A_923 = arith.constant 328 : i32
        %dma_start3A_924 = arith.constant 0 : i32
        %dma_start3A_925 = tpu.memref_slice %arg6[%dma_start3A_922, %dma_start3A_923, %dma_start3A_924] : memref<4x800x32xf32, #tpu.memory_space<vmem>> -> memref<1x72x32xf32, #tpu.memory_space<vmem>>
        %dma_start3A_926 = tpu.memref_squeeze %dma_start3A_925 : memref<1x72x32xf32, #tpu.memory_space<vmem>> -> memref<72x32xf32, #tpu.memory_space<vmem>>
        %dma_start3A_927 = arith.constant 128 : i32
        %dma_start3A_928 = tpu.memref_slice %arg5[%add3A_872, %dma_start3A_927] : memref<128x200xi32, #tpu.memory_space<vmem>> -> memref<1x72xi32, #tpu.memory_space<vmem>>
        %dma_start3A_929 = tpu.memref_squeeze %dma_start3A_928 : memref<1x72xi32, #tpu.memory_space<vmem>> -> memref<72xi32, #tpu.memory_space<vmem>>
        %dma_start3A_930 = arith.constant 0 : i32
        %dma_start3A_931 = arith.constant 0 : i32
        %dma_start3A_932 = tpu.memref_slice %arg3[%dma_start3A_930, %dma_start3A_931] : memref<1000000x32xf32, #tpu.memory_space<hbm>> -> memref<1000000x32xf32, #tpu.memory_space<hbm>>
        tpu.enqueue_indirect_dma source(%dma_start3A_932 : memref<1000000x32xf32, #tpu.memory_space<hbm>>) target(%dma_start3A_926 : memref<72x32xf32, #tpu.memory_space<vmem>>) offsets(%dma_start3A_929 : memref<72xi32, #tpu.memory_space<vmem>>) semaphore(%arg7 : memref<!tpu.dma_semaphore, #tpu.memory_space<semaphore_mem>>)
        %dma_start3A_933 = arith.constant 0 : i32
        %dma_start3A_934 = arith.constant 400 : i32
        %dma_start3A_935 = arith.constant 0 : i32
        %dma_start3A_936 = tpu.memref_slice %arg6[%dma_start3A_933, %dma_start3A_934, %dma_start3A_935] : memref<4x800x32xf32, #tpu.memory_space<vmem>> -> memref<1x128x32xf32, #tpu.memory_space<vmem>>
        %dma_start3A_937 = tpu.memref_squeeze %dma_start3A_936 : memref<1x128x32xf32, #tpu.memory_space<vmem>> -> memref<128x32xf32, #tpu.memory_space<vmem>>
        %dma_start3A_938 = arith.constant 0 : i32
        %dma_start3A_939 = tpu.memref_slice %arg5[%add3A_876, %dma_start3A_938] : memref<128x200xi32, #tpu.memory_space<vmem>> -> memref<1x128xi32, #tpu.memory_space<vmem>>
        %dma_start3A_940 = tpu.memref_squeeze %dma_start3A_939 : memref<1x128xi32, #tpu.memory_space<vmem>> -> memref<128xi32, #tpu.memory_space<vmem>>
        %dma_start3A_941 = arith.constant 0 : i32
        %dma_start3A_942 = arith.constant 0 : i32
        %dma_start3A_943 = tpu.memref_slice %arg3[%dma_start3A_941, %dma_start3A_942] : memref<1000000x32xf32, #tpu.memory_space<hbm>> -> memref<1000000x32xf32, #tpu.memory_space<hbm>>
        tpu.enqueue_indirect_dma source(%dma_start3A_943 : memref<1000000x32xf32, #tpu.memory_space<hbm>>) target(%dma_start3A_937 : memref<128x32xf32, #tpu.memory_space<vmem>>) offsets(%dma_start3A_940 : memref<128xi32, #tpu.memory_space<vmem>>) semaphore(%arg7 : memref<!tpu.dma_semaphore, #tpu.memory_space<semaphore_mem>>)
        %dma_start3A_944 = arith.constant 0 : i32
        %dma_start3A_945 = arith.constant 528 : i32
        %dma_start3A_946 = arith.constant 0 : i32
        %dma_start3A_947 = tpu.memref_slice %arg6[%dma_start3A_944, %dma_start3A_945, %dma_start3A_946] : memref<4x800x32xf32, #tpu.memory_space<vmem>> -> memref<1x72x32xf32, #tpu.memory_space<vmem>>
        %dma_start3A_948 = tpu.memref_squeeze %dma_start3A_947 : memref<1x72x32xf32, #tpu.memory_space<vmem>> -> memref<72x32xf32, #tpu.memory_space<vmem>>
        %dma_start3A_949 = arith.constant 128 : i32
        %dma_start3A_950 = tpu.memref_slice %arg5[%add3A_880, %dma_start3A_949] : memref<128x200xi32, #tpu.memory_space<vmem>> -> memref<1x72xi32, #tpu.memory_space<vmem>>
        %dma_start3A_951 = tpu.memref_squeeze %dma_start3A_950 : memref<1x72xi32, #tpu.memory_space<vmem>> -> memref<72xi32, #tpu.memory_space<vmem>>
        %dma_start3A_952 = arith.constant 0 : i32
        %dma_start3A_953 = arith.constant 0 : i32
        %dma_start3A_954 = tpu.memref_slice %arg3[%dma_start3A_952, %dma_start3A_953] : memref<1000000x32xf32, #tpu.memory_space<hbm>> -> memref<1000000x32xf32, #tpu.memory_space<hbm>>
        tpu.enqueue_indirect_dma source(%dma_start3A_954 : memref<1000000x32xf32, #tpu.memory_space<hbm>>) target(%dma_start3A_948 : memref<72x32xf32, #tpu.memory_space<vmem>>) offsets(%dma_start3A_951 : memref<72xi32, #tpu.memory_space<vmem>>) semaphore(%arg7 : memref<!tpu.dma_semaphore, #tpu.memory_space<semaphore_mem>>)
        %dma_start3A_955 = arith.constant 0 : i32
        %dma_start3A_956 = arith.constant 600 : i32
        %dma_start3A_957 = arith.constant 0 : i32
        %dma_start3A_958 = tpu.memref_slice %arg6[%dma_start3A_955, %dma_start3A_956, %dma_start3A_957] : memref<4x800x32xf32, #tpu.memory_space<vmem>> -> memref<1x128x32xf32, #tpu.memory_space<vmem>>
        %dma_start3A_959 = tpu.memref_squeeze %dma_start3A_958 : memref<1x128x32xf32, #tpu.memory_space<vmem>> -> memref<128x32xf32, #tpu.memory_space<vmem>>
        %dma_start3A_960 = arith.constant 0 : i32
        %dma_start3A_961 = tpu.memref_slice %arg5[%add3A_884, %dma_start3A_960] : memref<128x200xi32, #tpu.memory_space<vmem>> -> memref<1x128xi32, #tpu.memory_space<vmem>>
        %dma_start3A_962 = tpu.memref_squeeze %dma_start3A_961 : memref<1x128xi32, #tpu.memory_space<vmem>> -> memref<128xi32, #tpu.memory_space<vmem>>
        %dma_start3A_963 = arith.constant 0 : i32
        %dma_start3A_964 = arith.constant 0 : i32
        %dma_start3A_965 = tpu.memref_slice %arg3[%dma_start3A_963, %dma_start3A_964] : memref<1000000x32xf32, #tpu.memory_space<hbm>> -> memref<1000000x32xf32, #tpu.memory_space<hbm>>
        tpu.enqueue_indirect_dma source(%dma_start3A_965 : memref<1000000x32xf32, #tpu.memory_space<hbm>>) target(%dma_start3A_959 : memref<128x32xf32, #tpu.memory_space<vmem>>) offsets(%dma_start3A_962 : memref<128xi32, #tpu.memory_space<vmem>>) semaphore(%arg7 : memref<!tpu.dma_semaphore, #tpu.memory_space<semaphore_mem>>)
        %dma_start3A_966 = arith.constant 0 : i32
        %dma_start3A_967 = arith.constant 728 : i32
        %dma_start3A_968 = arith.constant 0 : i32
        %dma_start3A_969 = tpu.memref_slice %arg6[%dma_start3A_966, %dma_start3A_967, %dma_start3A_968] : memref<4x800x32xf32, #tpu.memory_space<vmem>> -> memref<1x72x32xf32, #tpu.memory_space<vmem>>
        %dma_start3A_970 = tpu.memref_squeeze %dma_start3A_969 : memref<1x72x32xf32, #tpu.memory_space<vmem>> -> memref<72x32xf32, #tpu.memory_space<vmem>>
        %dma_start3A_971 = arith.constant 128 : i32
        %dma_start3A_972 = tpu.memref_slice %arg5[%add3A_888, %dma_start3A_971] : memref<128x200xi32, #tpu.memory_space<vmem>> -> memref<1x72xi32, #tpu.memory_space<vmem>>
        %dma_start3A_973 = tpu.memref_squeeze %dma_start3A_972 : memref<1x72xi32, #tpu.memory_space<vmem>> -> memref<72xi32, #tpu.memory_space<vmem>>
        %dma_start3A_974 = arith.constant 0 : i32
        %dma_start3A_975 = arith.constant 0 : i32
        %dma_start3A_976 = tpu.memref_slice %arg3[%dma_start3A_974, %dma_start3A_975] : memref<1000000x32xf32, #tpu.memory_space<hbm>> -> memref<1000000x32xf32, #tpu.memory_space<hbm>>
        tpu.enqueue_indirect_dma source(%dma_start3A_976 : memref<1000000x32xf32, #tpu.memory_space<hbm>>) target(%dma_start3A_970 : memref<72x32xf32, #tpu.memory_space<vmem>>) offsets(%dma_start3A_973 : memref<72xi32, #tpu.memory_space<vmem>>) semaphore(%arg7 : memref<!tpu.dma_semaphore, #tpu.memory_space<semaphore_mem>>)
      } else {
      }
      %mul3A_699 = arith.constant 4 : i32
      %mul3A_700 = arith.muli %mul3A_699, %scan3A_234 : i32
      %add3A_701 = arith.constant 3 : i32
      %add3A_702 = arith.addi %mul3A_700, %add3A_701 : i32
      %mul3A_703 = arith.constant 4 : i32
      %mul3A_704 = arith.muli %add3A_702, %mul3A_703 : i32
      %add3A_705 = arith.constant 0 : i32
      %add3A_706 = arith.addi %mul3A_704, %add3A_705 : i32
      %mul3A_707 = arith.constant 4 : i32
      %mul3A_708 = arith.muli %add3A_702, %mul3A_707 : i32
      %add3A_709 = arith.constant 0 : i32
      %add3A_710 = arith.addi %mul3A_708, %add3A_709 : i32
      %mul3A_711 = arith.constant 4 : i32
      %mul3A_712 = arith.muli %add3A_702, %mul3A_711 : i32
      %add3A_713 = arith.constant 1 : i32
      %add3A_714 = arith.addi %mul3A_712, %add3A_713 : i32
      %mul3A_715 = arith.constant 4 : i32
      %mul3A_716 = arith.muli %add3A_702, %mul3A_715 : i32
      %add3A_717 = arith.constant 1 : i32
      %add3A_718 = arith.addi %mul3A_716, %add3A_717 : i32
      %mul3A_719 = arith.constant 4 : i32
      %mul3A_720 = arith.muli %add3A_702, %mul3A_719 : i32
      %add3A_721 = arith.constant 2 : i32
      %add3A_722 = arith.addi %mul3A_720, %add3A_721 : i32
      %mul3A_723 = arith.constant 4 : i32
      %mul3A_724 = arith.muli %add3A_702, %mul3A_723 : i32
      %add3A_725 = arith.constant 2 : i32
      %add3A_726 = arith.addi %mul3A_724, %add3A_725 : i32
      %mul3A_727 = arith.constant 4 : i32
      %mul3A_728 = arith.muli %add3A_702, %mul3A_727 : i32
      %add3A_729 = arith.constant 3 : i32
      %add3A_730 = arith.addi %mul3A_728, %add3A_729 : i32
      %mul3A_731 = arith.constant 4 : i32
      %mul3A_732 = arith.muli %add3A_702, %mul3A_731 : i32
      %add3A_733 = arith.constant 3 : i32
      %add3A_734 = arith.addi %mul3A_732, %add3A_733 : i32
      %dma_wait3A_735 = arith.constant 3 : i32
      %dma_wait3A_736 = arith.constant 0 : i32
      %dma_wait3A_737 = arith.constant 0 : i32
      %dma_wait3A_738 = tpu.memref_slice %arg6[%dma_wait3A_735, %dma_wait3A_736, %dma_wait3A_737] : memref<4x800x32xf32, #tpu.memory_space<vmem>> -> memref<1x128x32xf32, #tpu.memory_space<vmem>>
      %dma_wait3A_739 = tpu.memref_squeeze %dma_wait3A_738 : memref<1x128x32xf32, #tpu.memory_space<vmem>> -> memref<128x32xf32, #tpu.memory_space<vmem>>
      %dma_wait3A_740 = arith.constant 0 : i32
      %dma_wait3A_741 = tpu.memref_slice %arg5[%add3A_706, %dma_wait3A_740] : memref<128x200xi32, #tpu.memory_space<vmem>> -> memref<1x128xi32, #tpu.memory_space<vmem>>
      %dma_wait3A_742 = tpu.memref_squeeze %dma_wait3A_741 : memref<1x128xi32, #tpu.memory_space<vmem>> -> memref<128xi32, #tpu.memory_space<vmem>>
      %dma_wait3A_743 = arith.constant 0 : i32
      %dma_wait3A_744 = arith.constant 0 : i32
      %dma_wait3A_745 = tpu.memref_slice %arg3[%dma_wait3A_743, %dma_wait3A_744] : memref<1000000x32xf32, #tpu.memory_space<hbm>> -> memref<1000000x32xf32, #tpu.memory_space<hbm>>
      tpu.wait_indirect_dma semaphore(%arg10 : memref<!tpu.dma_semaphore, #tpu.memory_space<semaphore_mem>>) src(%dma_wait3A_745 : memref<1000000x32xf32, #tpu.memory_space<hbm>>) dst(%dma_wait3A_739 : memref<128x32xf32, #tpu.memory_space<vmem>>)
      %dma_wait3A_746 = arith.constant 3 : i32
      %dma_wait3A_747 = arith.constant 128 : i32
      %dma_wait3A_748 = arith.constant 0 : i32
      %dma_wait3A_749 = tpu.memref_slice %arg6[%dma_wait3A_746, %dma_wait3A_747, %dma_wait3A_748] : memref<4x800x32xf32, #tpu.memory_space<vmem>> -> memref<1x72x32xf32, #tpu.memory_space<vmem>>
      %dma_wait3A_750 = tpu.memref_squeeze %dma_wait3A_749 : memref<1x72x32xf32, #tpu.memory_space<vmem>> -> memref<72x32xf32, #tpu.memory_space<vmem>>
      %dma_wait3A_751 = arith.constant 128 : i32
      %dma_wait3A_752 = tpu.memref_slice %arg5[%add3A_710, %dma_wait3A_751] : memref<128x200xi32, #tpu.memory_space<vmem>> -> memref<1x72xi32, #tpu.memory_space<vmem>>
      %dma_wait3A_753 = tpu.memref_squeeze %dma_wait3A_752 : memref<1x72xi32, #tpu.memory_space<vmem>> -> memref<72xi32, #tpu.memory_space<vmem>>
      %dma_wait3A_754 = arith.constant 0 : i32
      %dma_wait3A_755 = arith.constant 0 : i32
      %dma_wait3A_756 = tpu.memref_slice %arg3[%dma_wait3A_754, %dma_wait3A_755] : memref<1000000x32xf32, #tpu.memory_space<hbm>> -> memref<1000000x32xf32, #tpu.memory_space<hbm>>
      tpu.wait_indirect_dma semaphore(%arg10 : memref<!tpu.dma_semaphore, #tpu.memory_space<semaphore_mem>>) src(%dma_wait3A_756 : memref<1000000x32xf32, #tpu.memory_space<hbm>>) dst(%dma_wait3A_750 : memref<72x32xf32, #tpu.memory_space<vmem>>)
      %dma_wait3A_757 = arith.constant 3 : i32
      %dma_wait3A_758 = arith.constant 200 : i32
      %dma_wait3A_759 = arith.constant 0 : i32
      %dma_wait3A_760 = tpu.memref_slice %arg6[%dma_wait3A_757, %dma_wait3A_758, %dma_wait3A_759] : memref<4x800x32xf32, #tpu.memory_space<vmem>> -> memref<1x128x32xf32, #tpu.memory_space<vmem>>
      %dma_wait3A_761 = tpu.memref_squeeze %dma_wait3A_760 : memref<1x128x32xf32, #tpu.memory_space<vmem>> -> memref<128x32xf32, #tpu.memory_space<vmem>>
      %dma_wait3A_762 = arith.constant 0 : i32
      %dma_wait3A_763 = tpu.memref_slice %arg5[%add3A_714, %dma_wait3A_762] : memref<128x200xi32, #tpu.memory_space<vmem>> -> memref<1x128xi32, #tpu.memory_space<vmem>>
      %dma_wait3A_764 = tpu.memref_squeeze %dma_wait3A_763 : memref<1x128xi32, #tpu.memory_space<vmem>> -> memref<128xi32, #tpu.memory_space<vmem>>
      %dma_wait3A_765 = arith.constant 0 : i32
      %dma_wait3A_766 = arith.constant 0 : i32
      %dma_wait3A_767 = tpu.memref_slice %arg3[%dma_wait3A_765, %dma_wait3A_766] : memref<1000000x32xf32, #tpu.memory_space<hbm>> -> memref<1000000x32xf32, #tpu.memory_space<hbm>>
      tpu.wait_indirect_dma semaphore(%arg10 : memref<!tpu.dma_semaphore, #tpu.memory_space<semaphore_mem>>) src(%dma_wait3A_767 : memref<1000000x32xf32, #tpu.memory_space<hbm>>) dst(%dma_wait3A_761 : memref<128x32xf32, #tpu.memory_space<vmem>>)
      %dma_wait3A_768 = arith.constant 3 : i32
      %dma_wait3A_769 = arith.constant 328 : i32
      %dma_wait3A_770 = arith.constant 0 : i32
      %dma_wait3A_771 = tpu.memref_slice %arg6[%dma_wait3A_768, %dma_wait3A_769, %dma_wait3A_770] : memref<4x800x32xf32, #tpu.memory_space<vmem>> -> memref<1x72x32xf32, #tpu.memory_space<vmem>>
      %dma_wait3A_772 = tpu.memref_squeeze %dma_wait3A_771 : memref<1x72x32xf32, #tpu.memory_space<vmem>> -> memref<72x32xf32, #tpu.memory_space<vmem>>
      %dma_wait3A_773 = arith.constant 128 : i32
      %dma_wait3A_774 = tpu.memref_slice %arg5[%add3A_718, %dma_wait3A_773] : memref<128x200xi32, #tpu.memory_space<vmem>> -> memref<1x72xi32, #tpu.memory_space<vmem>>
      %dma_wait3A_775 = tpu.memref_squeeze %dma_wait3A_774 : memref<1x72xi32, #tpu.memory_space<vmem>> -> memref<72xi32, #tpu.memory_space<vmem>>
      %dma_wait3A_776 = arith.constant 0 : i32
      %dma_wait3A_777 = arith.constant 0 : i32
      %dma_wait3A_778 = tpu.memref_slice %arg3[%dma_wait3A_776, %dma_wait3A_777] : memref<1000000x32xf32, #tpu.memory_space<hbm>> -> memref<1000000x32xf32, #tpu.memory_space<hbm>>
      tpu.wait_indirect_dma semaphore(%arg10 : memref<!tpu.dma_semaphore, #tpu.memory_space<semaphore_mem>>) src(%dma_wait3A_778 : memref<1000000x32xf32, #tpu.memory_space<hbm>>) dst(%dma_wait3A_772 : memref<72x32xf32, #tpu.memory_space<vmem>>)
      %dma_wait3A_779 = arith.constant 3 : i32
      %dma_wait3A_780 = arith.constant 400 : i32
      %dma_wait3A_781 = arith.constant 0 : i32
      %dma_wait3A_782 = tpu.memref_slice %arg6[%dma_wait3A_779, %dma_wait3A_780, %dma_wait3A_781] : memref<4x800x32xf32, #tpu.memory_space<vmem>> -> memref<1x128x32xf32, #tpu.memory_space<vmem>>
      %dma_wait3A_783 = tpu.memref_squeeze %dma_wait3A_782 : memref<1x128x32xf32, #tpu.memory_space<vmem>> -> memref<128x32xf32, #tpu.memory_space<vmem>>
      %dma_wait3A_784 = arith.constant 0 : i32
      %dma_wait3A_785 = tpu.memref_slice %arg5[%add3A_722, %dma_wait3A_784] : memref<128x200xi32, #tpu.memory_space<vmem>> -> memref<1x128xi32, #tpu.memory_space<vmem>>
      %dma_wait3A_786 = tpu.memref_squeeze %dma_wait3A_785 : memref<1x128xi32, #tpu.memory_space<vmem>> -> memref<128xi32, #tpu.memory_space<vmem>>
      %dma_wait3A_787 = arith.constant 0 : i32
      %dma_wait3A_788 = arith.constant 0 : i32
      %dma_wait3A_789 = tpu.memref_slice %arg3[%dma_wait3A_787, %dma_wait3A_788] : memref<1000000x32xf32, #tpu.memory_space<hbm>> -> memref<1000000x32xf32, #tpu.memory_space<hbm>>
      tpu.wait_indirect_dma semaphore(%arg10 : memref<!tpu.dma_semaphore, #tpu.memory_space<semaphore_mem>>) src(%dma_wait3A_789 : memref<1000000x32xf32, #tpu.memory_space<hbm>>) dst(%dma_wait3A_783 : memref<128x32xf32, #tpu.memory_space<vmem>>)
      %dma_wait3A_790 = arith.constant 3 : i32
      %dma_wait3A_791 = arith.constant 528 : i32
      %dma_wait3A_792 = arith.constant 0 : i32
      %dma_wait3A_793 = tpu.memref_slice %arg6[%dma_wait3A_790, %dma_wait3A_791, %dma_wait3A_792] : memref<4x800x32xf32, #tpu.memory_space<vmem>> -> memref<1x72x32xf32, #tpu.memory_space<vmem>>
      %dma_wait3A_794 = tpu.memref_squeeze %dma_wait3A_793 : memref<1x72x32xf32, #tpu.memory_space<vmem>> -> memref<72x32xf32, #tpu.memory_space<vmem>>
      %dma_wait3A_795 = arith.constant 128 : i32
      %dma_wait3A_796 = tpu.memref_slice %arg5[%add3A_726, %dma_wait3A_795] : memref<128x200xi32, #tpu.memory_space<vmem>> -> memref<1x72xi32, #tpu.memory_space<vmem>>
      %dma_wait3A_797 = tpu.memref_squeeze %dma_wait3A_796 : memref<1x72xi32, #tpu.memory_space<vmem>> -> memref<72xi32, #tpu.memory_space<vmem>>
      %dma_wait3A_798 = arith.constant 0 : i32
      %dma_wait3A_799 = arith.constant 0 : i32
      %dma_wait3A_800 = tpu.memref_slice %arg3[%dma_wait3A_798, %dma_wait3A_799] : memref<1000000x32xf32, #tpu.memory_space<hbm>> -> memref<1000000x32xf32, #tpu.memory_space<hbm>>
      tpu.wait_indirect_dma semaphore(%arg10 : memref<!tpu.dma_semaphore, #tpu.memory_space<semaphore_mem>>) src(%dma_wait3A_800 : memref<1000000x32xf32, #tpu.memory_space<hbm>>) dst(%dma_wait3A_794 : memref<72x32xf32, #tpu.memory_space<vmem>>)
      %dma_wait3A_801 = arith.constant 3 : i32
      %dma_wait3A_802 = arith.constant 600 : i32
      %dma_wait3A_803 = arith.constant 0 : i32
      %dma_wait3A_804 = tpu.memref_slice %arg6[%dma_wait3A_801, %dma_wait3A_802, %dma_wait3A_803] : memref<4x800x32xf32, #tpu.memory_space<vmem>> -> memref<1x128x32xf32, #tpu.memory_space<vmem>>
      %dma_wait3A_805 = tpu.memref_squeeze %dma_wait3A_804 : memref<1x128x32xf32, #tpu.memory_space<vmem>> -> memref<128x32xf32, #tpu.memory_space<vmem>>
      %dma_wait3A_806 = arith.constant 0 : i32
      %dma_wait3A_807 = tpu.memref_slice %arg5[%add3A_730, %dma_wait3A_806] : memref<128x200xi32, #tpu.memory_space<vmem>> -> memref<1x128xi32, #tpu.memory_space<vmem>>
      %dma_wait3A_808 = tpu.memref_squeeze %dma_wait3A_807 : memref<1x128xi32, #tpu.memory_space<vmem>> -> memref<128xi32, #tpu.memory_space<vmem>>
      %dma_wait3A_809 = arith.constant 0 : i32
      %dma_wait3A_810 = arith.constant 0 : i32
      %dma_wait3A_811 = tpu.memref_slice %arg3[%dma_wait3A_809, %dma_wait3A_810] : memref<1000000x32xf32, #tpu.memory_space<hbm>> -> memref<1000000x32xf32, #tpu.memory_space<hbm>>
      tpu.wait_indirect_dma semaphore(%arg10 : memref<!tpu.dma_semaphore, #tpu.memory_space<semaphore_mem>>) src(%dma_wait3A_811 : memref<1000000x32xf32, #tpu.memory_space<hbm>>) dst(%dma_wait3A_805 : memref<128x32xf32, #tpu.memory_space<vmem>>)
      %dma_wait3A_812 = arith.constant 3 : i32
      %dma_wait3A_813 = arith.constant 728 : i32
      %dma_wait3A_814 = arith.constant 0 : i32
      %dma_wait3A_815 = tpu.memref_slice %arg6[%dma_wait3A_812, %dma_wait3A_813, %dma_wait3A_814] : memref<4x800x32xf32, #tpu.memory_space<vmem>> -> memref<1x72x32xf32, #tpu.memory_space<vmem>>
      %dma_wait3A_816 = tpu.memref_squeeze %dma_wait3A_815 : memref<1x72x32xf32, #tpu.memory_space<vmem>> -> memref<72x32xf32, #tpu.memory_space<vmem>>
      %dma_wait3A_817 = arith.constant 128 : i32
      %dma_wait3A_818 = tpu.memref_slice %arg5[%add3A_734, %dma_wait3A_817] : memref<128x200xi32, #tpu.memory_space<vmem>> -> memref<1x72xi32, #tpu.memory_space<vmem>>
      %dma_wait3A_819 = tpu.memref_squeeze %dma_wait3A_818 : memref<1x72xi32, #tpu.memory_space<vmem>> -> memref<72xi32, #tpu.memory_space<vmem>>
      %dma_wait3A_820 = arith.constant 0 : i32
      %dma_wait3A_821 = arith.constant 0 : i32
      %dma_wait3A_822 = tpu.memref_slice %arg3[%dma_wait3A_820, %dma_wait3A_821] : memref<1000000x32xf32, #tpu.memory_space<hbm>> -> memref<1000000x32xf32, #tpu.memory_space<hbm>>
      tpu.wait_indirect_dma semaphore(%arg10 : memref<!tpu.dma_semaphore, #tpu.memory_space<semaphore_mem>>) src(%dma_wait3A_822 : memref<1000000x32xf32, #tpu.memory_space<hbm>>) dst(%dma_wait3A_816 : memref<72x32xf32, #tpu.memory_space<vmem>>)
      %mul3A_823 = arith.constant 128 : i32
      %mul3A_824 = arith.muli %add3A, %mul3A_823 : i32
      %mul3A_825 = arith.constant 4 : i32
      %mul3A_826 = arith.muli %add3A_702, %mul3A_825 : i32
      %add3A_827 = arith.addi %mul3A_824, %mul3A_826 : i32
      %mul3A_828 = arith.constant 200 : i32
      %mul3A_829 = arith.muli %add3A_827, %mul3A_828 : i32
      %dma_start3A_830 = arith.constant 3 : i32
      %dma_start3A_831 = arith.constant 0 : i32
      %dma_start3A_832 = arith.constant 0 : i32
      %dma_start3A_833 = tpu.memref_slice %arg6[%dma_start3A_830, %dma_start3A_831, %dma_start3A_832] : memref<4x800x32xf32, #tpu.memory_space<vmem>> -> memref<1x800x32xf32, #tpu.memory_space<vmem>>
      %dma_start3A_834 = tpu.memref_squeeze %dma_start3A_833 : memref<1x800x32xf32, #tpu.memory_space<vmem>> -> memref<800x32xf32, #tpu.memory_space<vmem>>
      %dma_start3A_835 = arith.constant 0 : i32
      %dma_start3A_836 = tpu.memref_slice %arg4[%mul3A_829, %dma_start3A_835] : memref<819200x128xf32, #tpu.memory_space<hbm>> -> memref<800x32xf32, #tpu.memory_space<hbm>>
      %dma_start3A_837 = arith.constant 0 : i32
      %dma_start3A_838 = tpu.memref_slice %arg4[%mul3A_829, %dma_start3A_837] : memref<819200x128xf32, #tpu.memory_space<hbm>> -> memref<800x32xf32, #tpu.memory_space<hbm>>
      %dma_start3A_839 = arith.constant 0 : i32
      %dma_start3A_840 = arith.constant 0 : i32
      %dma_start3A_841 = tpu.memref_slice %arg6[%dma_start3A_830, %dma_start3A_839, %dma_start3A_840] : memref<4x800x32xf32, #tpu.memory_space<vmem>> -> memref<1x800x32xf32, #tpu.memory_space<vmem>>
      %dma_start3A_842 = tpu.memref_squeeze %dma_start3A_841 : memref<1x800x32xf32, #tpu.memory_space<vmem>> -> memref<800x32xf32, #tpu.memory_space<vmem>>
      tpu.enqueue_dma source(%dma_start3A_842 : memref<800x32xf32, #tpu.memory_space<vmem>>) target(%dma_start3A_838 : memref<800x32xf32, #tpu.memory_space<hbm>>) target_semaphore(%arg14 : memref<!tpu.dma_semaphore, #tpu.memory_space<semaphore_mem>>)
      %ge3A_843 = arith.constant 2 : i32
      %ge3A_844 = arith.cmpi sge, %add3A_702, %ge3A_843 : i32
      %convert_element_type3A_845 = arith.extui %ge3A_844 : i1 to i32
      %cond3A_846 = arith.constant 0 : i32
      %cond3A_847 = arith.cmpi ne, %convert_element_type3A_845, %cond3A_846 : i32
      scf.if %cond3A_847 {
        %sub3A = arith.constant 2 : i32
        %sub3A_855 = arith.subi %add3A_702, %sub3A : i32
        %mul3A_856 = arith.constant 128 : i32
        %mul3A_857 = arith.muli %add3A, %mul3A_856 : i32
        %mul3A_858 = arith.constant 4 : i32
        %mul3A_859 = arith.muli %sub3A_855, %mul3A_858 : i32
        %add3A_860 = arith.addi %mul3A_857, %mul3A_859 : i32
        %mul3A_861 = arith.constant 200 : i32
        %mul3A_862 = arith.muli %add3A_860, %mul3A_861 : i32
        %dma_wait3A_863 = arith.constant 1 : i32
        %dma_wait3A_864 = arith.constant 0 : i32
        %dma_wait3A_865 = arith.constant 0 : i32
        %dma_wait3A_866 = tpu.memref_slice %arg6[%dma_wait3A_863, %dma_wait3A_864, %dma_wait3A_865] : memref<4x800x32xf32, #tpu.memory_space<vmem>> -> memref<1x800x32xf32, #tpu.memory_space<vmem>>
        %dma_wait3A_867 = tpu.memref_squeeze %dma_wait3A_866 : memref<1x800x32xf32, #tpu.memory_space<vmem>> -> memref<800x32xf32, #tpu.memory_space<vmem>>
        %dma_wait3A_868 = arith.constant 0 : i32
        %dma_wait3A_869 = tpu.memref_slice %arg4[%mul3A_862, %dma_wait3A_868] : memref<819200x128xf32, #tpu.memory_space<hbm>> -> memref<800x32xf32, #tpu.memory_space<hbm>>
        %dma_wait3A_870 = arith.constant 0 : i32
        %dma_wait3A_871 = tpu.memref_slice %arg4[%mul3A_862, %dma_wait3A_870] : memref<819200x128xf32, #tpu.memory_space<hbm>> -> memref<800x32xf32, #tpu.memory_space<hbm>>
        %dma_wait3A_872 = arith.constant 0 : i32
        %dma_wait3A_873 = arith.constant 0 : i32
        %dma_wait3A_874 = tpu.memref_slice %arg6[%dma_wait3A_863, %dma_wait3A_872, %dma_wait3A_873] : memref<4x800x32xf32, #tpu.memory_space<vmem>> -> memref<1x800x32xf32, #tpu.memory_space<vmem>>
        %dma_wait3A_875 = tpu.memref_squeeze %dma_wait3A_874 : memref<1x800x32xf32, #tpu.memory_space<vmem>> -> memref<800x32xf32, #tpu.memory_space<vmem>>
        tpu.wait_dma2 semaphore(%arg12 : memref<!tpu.dma_semaphore, #tpu.memory_space<semaphore_mem>>) src(%dma_wait3A_875 : memref<800x32xf32, #tpu.memory_space<vmem>>) dst(%dma_wait3A_871 : memref<800x32xf32, #tpu.memory_space<hbm>>)
      } else {
      }
      %add3A_848 = arith.constant 2 : i32
      %add3A_849 = arith.addi %add3A_702, %add3A_848 : i32
      %lt3A_850 = arith.constant 32 : i32
      %lt3A_851 = arith.cmpi slt, %add3A_849, %lt3A_850 : i32
      %convert_element_type3A_852 = arith.extui %lt3A_851 : i1 to i32
      %cond3A_853 = arith.constant 0 : i32
      %cond3A_854 = arith.cmpi ne, %convert_element_type3A_852, %cond3A_853 : i32
      scf.if %cond3A_854 {
        %add3A_855 = arith.constant 2 : i32
        %add3A_856 = arith.addi %add3A_702, %add3A_855 : i32
        %mul3A_857 = arith.constant 4 : i32
        %mul3A_858 = arith.muli %add3A_856, %mul3A_857 : i32
        %add3A_859 = arith.constant 0 : i32
        %add3A_860 = arith.addi %mul3A_858, %add3A_859 : i32
        %mul3A_861 = arith.constant 4 : i32
        %mul3A_862 = arith.muli %add3A_856, %mul3A_861 : i32
        %add3A_863 = arith.constant 0 : i32
        %add3A_864 = arith.addi %mul3A_862, %add3A_863 : i32
        %mul3A_865 = arith.constant 4 : i32
        %mul3A_866 = arith.muli %add3A_856, %mul3A_865 : i32
        %add3A_867 = arith.constant 1 : i32
        %add3A_868 = arith.addi %mul3A_866, %add3A_867 : i32
        %mul3A_869 = arith.constant 4 : i32
        %mul3A_870 = arith.muli %add3A_856, %mul3A_869 : i32
        %add3A_871 = arith.constant 1 : i32
        %add3A_872 = arith.addi %mul3A_870, %add3A_871 : i32
        %mul3A_873 = arith.constant 4 : i32
        %mul3A_874 = arith.muli %add3A_856, %mul3A_873 : i32
        %add3A_875 = arith.constant 2 : i32
        %add3A_876 = arith.addi %mul3A_874, %add3A_875 : i32
        %mul3A_877 = arith.constant 4 : i32
        %mul3A_878 = arith.muli %add3A_856, %mul3A_877 : i32
        %add3A_879 = arith.constant 2 : i32
        %add3A_880 = arith.addi %mul3A_878, %add3A_879 : i32
        %mul3A_881 = arith.constant 4 : i32
        %mul3A_882 = arith.muli %add3A_856, %mul3A_881 : i32
        %add3A_883 = arith.constant 3 : i32
        %add3A_884 = arith.addi %mul3A_882, %add3A_883 : i32
        %mul3A_885 = arith.constant 4 : i32
        %mul3A_886 = arith.muli %add3A_856, %mul3A_885 : i32
        %add3A_887 = arith.constant 3 : i32
        %add3A_888 = arith.addi %mul3A_886, %add3A_887 : i32
        %dma_start3A_889 = arith.constant 1 : i32
        %dma_start3A_890 = arith.constant 0 : i32
        %dma_start3A_891 = arith.constant 0 : i32
        %dma_start3A_892 = tpu.memref_slice %arg6[%dma_start3A_889, %dma_start3A_890, %dma_start3A_891] : memref<4x800x32xf32, #tpu.memory_space<vmem>> -> memref<1x128x32xf32, #tpu.memory_space<vmem>>
        %dma_start3A_893 = tpu.memref_squeeze %dma_start3A_892 : memref<1x128x32xf32, #tpu.memory_space<vmem>> -> memref<128x32xf32, #tpu.memory_space<vmem>>
        %dma_start3A_894 = arith.constant 0 : i32
        %dma_start3A_895 = tpu.memref_slice %arg5[%add3A_860, %dma_start3A_894] : memref<128x200xi32, #tpu.memory_space<vmem>> -> memref<1x128xi32, #tpu.memory_space<vmem>>
        %dma_start3A_896 = tpu.memref_squeeze %dma_start3A_895 : memref<1x128xi32, #tpu.memory_space<vmem>> -> memref<128xi32, #tpu.memory_space<vmem>>
        %dma_start3A_897 = arith.constant 0 : i32
        %dma_start3A_898 = arith.constant 0 : i32
        %dma_start3A_899 = tpu.memref_slice %arg3[%dma_start3A_897, %dma_start3A_898] : memref<1000000x32xf32, #tpu.memory_space<hbm>> -> memref<1000000x32xf32, #tpu.memory_space<hbm>>
        tpu.enqueue_indirect_dma source(%dma_start3A_899 : memref<1000000x32xf32, #tpu.memory_space<hbm>>) target(%dma_start3A_893 : memref<128x32xf32, #tpu.memory_space<vmem>>) offsets(%dma_start3A_896 : memref<128xi32, #tpu.memory_space<vmem>>) semaphore(%arg8 : memref<!tpu.dma_semaphore, #tpu.memory_space<semaphore_mem>>)
        %dma_start3A_900 = arith.constant 1 : i32
        %dma_start3A_901 = arith.constant 128 : i32
        %dma_start3A_902 = arith.constant 0 : i32
        %dma_start3A_903 = tpu.memref_slice %arg6[%dma_start3A_900, %dma_start3A_901, %dma_start3A_902] : memref<4x800x32xf32, #tpu.memory_space<vmem>> -> memref<1x72x32xf32, #tpu.memory_space<vmem>>
        %dma_start3A_904 = tpu.memref_squeeze %dma_start3A_903 : memref<1x72x32xf32, #tpu.memory_space<vmem>> -> memref<72x32xf32, #tpu.memory_space<vmem>>
        %dma_start3A_905 = arith.constant 128 : i32
        %dma_start3A_906 = tpu.memref_slice %arg5[%add3A_864, %dma_start3A_905] : memref<128x200xi32, #tpu.memory_space<vmem>> -> memref<1x72xi32, #tpu.memory_space<vmem>>
        %dma_start3A_907 = tpu.memref_squeeze %dma_start3A_906 : memref<1x72xi32, #tpu.memory_space<vmem>> -> memref<72xi32, #tpu.memory_space<vmem>>
        %dma_start3A_908 = arith.constant 0 : i32
        %dma_start3A_909 = arith.constant 0 : i32
        %dma_start3A_910 = tpu.memref_slice %arg3[%dma_start3A_908, %dma_start3A_909] : memref<1000000x32xf32, #tpu.memory_space<hbm>> -> memref<1000000x32xf32, #tpu.memory_space<hbm>>
        tpu.enqueue_indirect_dma source(%dma_start3A_910 : memref<1000000x32xf32, #tpu.memory_space<hbm>>) target(%dma_start3A_904 : memref<72x32xf32, #tpu.memory_space<vmem>>) offsets(%dma_start3A_907 : memref<72xi32, #tpu.memory_space<vmem>>) semaphore(%arg8 : memref<!tpu.dma_semaphore, #tpu.memory_space<semaphore_mem>>)
        %dma_start3A_911 = arith.constant 1 : i32
        %dma_start3A_912 = arith.constant 200 : i32
        %dma_start3A_913 = arith.constant 0 : i32
        %dma_start3A_914 = tpu.memref_slice %arg6[%dma_start3A_911, %dma_start3A_912, %dma_start3A_913] : memref<4x800x32xf32, #tpu.memory_space<vmem>> -> memref<1x128x32xf32, #tpu.memory_space<vmem>>
        %dma_start3A_915 = tpu.memref_squeeze %dma_start3A_914 : memref<1x128x32xf32, #tpu.memory_space<vmem>> -> memref<128x32xf32, #tpu.memory_space<vmem>>
        %dma_start3A_916 = arith.constant 0 : i32
        %dma_start3A_917 = tpu.memref_slice %arg5[%add3A_868, %dma_start3A_916] : memref<128x200xi32, #tpu.memory_space<vmem>> -> memref<1x128xi32, #tpu.memory_space<vmem>>
        %dma_start3A_918 = tpu.memref_squeeze %dma_start3A_917 : memref<1x128xi32, #tpu.memory_space<vmem>> -> memref<128xi32, #tpu.memory_space<vmem>>
        %dma_start3A_919 = arith.constant 0 : i32
        %dma_start3A_920 = arith.constant 0 : i32
        %dma_start3A_921 = tpu.memref_slice %arg3[%dma_start3A_919, %dma_start3A_920] : memref<1000000x32xf32, #tpu.memory_space<hbm>> -> memref<1000000x32xf32, #tpu.memory_space<hbm>>
        tpu.enqueue_indirect_dma source(%dma_start3A_921 : memref<1000000x32xf32, #tpu.memory_space<hbm>>) target(%dma_start3A_915 : memref<128x32xf32, #tpu.memory_space<vmem>>) offsets(%dma_start3A_918 : memref<128xi32, #tpu.memory_space<vmem>>) semaphore(%arg8 : memref<!tpu.dma_semaphore, #tpu.memory_space<semaphore_mem>>)
        %dma_start3A_922 = arith.constant 1 : i32
        %dma_start3A_923 = arith.constant 328 : i32
        %dma_start3A_924 = arith.constant 0 : i32
        %dma_start3A_925 = tpu.memref_slice %arg6[%dma_start3A_922, %dma_start3A_923, %dma_start3A_924] : memref<4x800x32xf32, #tpu.memory_space<vmem>> -> memref<1x72x32xf32, #tpu.memory_space<vmem>>
        %dma_start3A_926 = tpu.memref_squeeze %dma_start3A_925 : memref<1x72x32xf32, #tpu.memory_space<vmem>> -> memref<72x32xf32, #tpu.memory_space<vmem>>
        %dma_start3A_927 = arith.constant 128 : i32
        %dma_start3A_928 = tpu.memref_slice %arg5[%add3A_872, %dma_start3A_927] : memref<128x200xi32, #tpu.memory_space<vmem>> -> memref<1x72xi32, #tpu.memory_space<vmem>>
        %dma_start3A_929 = tpu.memref_squeeze %dma_start3A_928 : memref<1x72xi32, #tpu.memory_space<vmem>> -> memref<72xi32, #tpu.memory_space<vmem>>
        %dma_start3A_930 = arith.constant 0 : i32
        %dma_start3A_931 = arith.constant 0 : i32
        %dma_start3A_932 = tpu.memref_slice %arg3[%dma_start3A_930, %dma_start3A_931] : memref<1000000x32xf32, #tpu.memory_space<hbm>> -> memref<1000000x32xf32, #tpu.memory_space<hbm>>
        tpu.enqueue_indirect_dma source(%dma_start3A_932 : memref<1000000x32xf32, #tpu.memory_space<hbm>>) target(%dma_start3A_926 : memref<72x32xf32, #tpu.memory_space<vmem>>) offsets(%dma_start3A_929 : memref<72xi32, #tpu.memory_space<vmem>>) semaphore(%arg8 : memref<!tpu.dma_semaphore, #tpu.memory_space<semaphore_mem>>)
        %dma_start3A_933 = arith.constant 1 : i32
        %dma_start3A_934 = arith.constant 400 : i32
        %dma_start3A_935 = arith.constant 0 : i32
        %dma_start3A_936 = tpu.memref_slice %arg6[%dma_start3A_933, %dma_start3A_934, %dma_start3A_935] : memref<4x800x32xf32, #tpu.memory_space<vmem>> -> memref<1x128x32xf32, #tpu.memory_space<vmem>>
        %dma_start3A_937 = tpu.memref_squeeze %dma_start3A_936 : memref<1x128x32xf32, #tpu.memory_space<vmem>> -> memref<128x32xf32, #tpu.memory_space<vmem>>
        %dma_start3A_938 = arith.constant 0 : i32
        %dma_start3A_939 = tpu.memref_slice %arg5[%add3A_876, %dma_start3A_938] : memref<128x200xi32, #tpu.memory_space<vmem>> -> memref<1x128xi32, #tpu.memory_space<vmem>>
        %dma_start3A_940 = tpu.memref_squeeze %dma_start3A_939 : memref<1x128xi32, #tpu.memory_space<vmem>> -> memref<128xi32, #tpu.memory_space<vmem>>
        %dma_start3A_941 = arith.constant 0 : i32
        %dma_start3A_942 = arith.constant 0 : i32
        %dma_start3A_943 = tpu.memref_slice %arg3[%dma_start3A_941, %dma_start3A_942] : memref<1000000x32xf32, #tpu.memory_space<hbm>> -> memref<1000000x32xf32, #tpu.memory_space<hbm>>
        tpu.enqueue_indirect_dma source(%dma_start3A_943 : memref<1000000x32xf32, #tpu.memory_space<hbm>>) target(%dma_start3A_937 : memref<128x32xf32, #tpu.memory_space<vmem>>) offsets(%dma_start3A_940 : memref<128xi32, #tpu.memory_space<vmem>>) semaphore(%arg8 : memref<!tpu.dma_semaphore, #tpu.memory_space<semaphore_mem>>)
        %dma_start3A_944 = arith.constant 1 : i32
        %dma_start3A_945 = arith.constant 528 : i32
        %dma_start3A_946 = arith.constant 0 : i32
        %dma_start3A_947 = tpu.memref_slice %arg6[%dma_start3A_944, %dma_start3A_945, %dma_start3A_946] : memref<4x800x32xf32, #tpu.memory_space<vmem>> -> memref<1x72x32xf32, #tpu.memory_space<vmem>>
        %dma_start3A_948 = tpu.memref_squeeze %dma_start3A_947 : memref<1x72x32xf32, #tpu.memory_space<vmem>> -> memref<72x32xf32, #tpu.memory_space<vmem>>
        %dma_start3A_949 = arith.constant 128 : i32
        %dma_start3A_950 = tpu.memref_slice %arg5[%add3A_880, %dma_start3A_949] : memref<128x200xi32, #tpu.memory_space<vmem>> -> memref<1x72xi32, #tpu.memory_space<vmem>>
        %dma_start3A_951 = tpu.memref_squeeze %dma_start3A_950 : memref<1x72xi32, #tpu.memory_space<vmem>> -> memref<72xi32, #tpu.memory_space<vmem>>
        %dma_start3A_952 = arith.constant 0 : i32
        %dma_start3A_953 = arith.constant 0 : i32
        %dma_start3A_954 = tpu.memref_slice %arg3[%dma_start3A_952, %dma_start3A_953] : memref<1000000x32xf32, #tpu.memory_space<hbm>> -> memref<1000000x32xf32, #tpu.memory_space<hbm>>
        tpu.enqueue_indirect_dma source(%dma_start3A_954 : memref<1000000x32xf32, #tpu.memory_space<hbm>>) target(%dma_start3A_948 : memref<72x32xf32, #tpu.memory_space<vmem>>) offsets(%dma_start3A_951 : memref<72xi32, #tpu.memory_space<vmem>>) semaphore(%arg8 : memref<!tpu.dma_semaphore, #tpu.memory_space<semaphore_mem>>)
        %dma_start3A_955 = arith.constant 1 : i32
        %dma_start3A_956 = arith.constant 600 : i32
        %dma_start3A_957 = arith.constant 0 : i32
        %dma_start3A_958 = tpu.memref_slice %arg6[%dma_start3A_955, %dma_start3A_956, %dma_start3A_957] : memref<4x800x32xf32, #tpu.memory_space<vmem>> -> memref<1x128x32xf32, #tpu.memory_space<vmem>>
        %dma_start3A_959 = tpu.memref_squeeze %dma_start3A_958 : memref<1x128x32xf32, #tpu.memory_space<vmem>> -> memref<128x32xf32, #tpu.memory_space<vmem>>
        %dma_start3A_960 = arith.constant 0 : i32
        %dma_start3A_961 = tpu.memref_slice %arg5[%add3A_884, %dma_start3A_960] : memref<128x200xi32, #tpu.memory_space<vmem>> -> memref<1x128xi32, #tpu.memory_space<vmem>>
        %dma_start3A_962 = tpu.memref_squeeze %dma_start3A_961 : memref<1x128xi32, #tpu.memory_space<vmem>> -> memref<128xi32, #tpu.memory_space<vmem>>
        %dma_start3A_963 = arith.constant 0 : i32
        %dma_start3A_964 = arith.constant 0 : i32
        %dma_start3A_965 = tpu.memref_slice %arg3[%dma_start3A_963, %dma_start3A_964] : memref<1000000x32xf32, #tpu.memory_space<hbm>> -> memref<1000000x32xf32, #tpu.memory_space<hbm>>
        tpu.enqueue_indirect_dma source(%dma_start3A_965 : memref<1000000x32xf32, #tpu.memory_space<hbm>>) target(%dma_start3A_959 : memref<128x32xf32, #tpu.memory_space<vmem>>) offsets(%dma_start3A_962 : memref<128xi32, #tpu.memory_space<vmem>>) semaphore(%arg8 : memref<!tpu.dma_semaphore, #tpu.memory_space<semaphore_mem>>)
        %dma_start3A_966 = arith.constant 1 : i32
        %dma_start3A_967 = arith.constant 728 : i32
        %dma_start3A_968 = arith.constant 0 : i32
        %dma_start3A_969 = tpu.memref_slice %arg6[%dma_start3A_966, %dma_start3A_967, %dma_start3A_968] : memref<4x800x32xf32, #tpu.memory_space<vmem>> -> memref<1x72x32xf32, #tpu.memory_space<vmem>>
        %dma_start3A_970 = tpu.memref_squeeze %dma_start3A_969 : memref<1x72x32xf32, #tpu.memory_space<vmem>> -> memref<72x32xf32, #tpu.memory_space<vmem>>
        %dma_start3A_971 = arith.constant 128 : i32
        %dma_start3A_972 = tpu.memref_slice %arg5[%add3A_888, %dma_start3A_971] : memref<128x200xi32, #tpu.memory_space<vmem>> -> memref<1x72xi32, #tpu.memory_space<vmem>>
        %dma_start3A_973 = tpu.memref_squeeze %dma_start3A_972 : memref<1x72xi32, #tpu.memory_space<vmem>> -> memref<72xi32, #tpu.memory_space<vmem>>
        %dma_start3A_974 = arith.constant 0 : i32
        %dma_start3A_975 = arith.constant 0 : i32
        %dma_start3A_976 = tpu.memref_slice %arg3[%dma_start3A_974, %dma_start3A_975] : memref<1000000x32xf32, #tpu.memory_space<hbm>> -> memref<1000000x32xf32, #tpu.memory_space<hbm>>
        tpu.enqueue_indirect_dma source(%dma_start3A_976 : memref<1000000x32xf32, #tpu.memory_space<hbm>>) target(%dma_start3A_970 : memref<72x32xf32, #tpu.memory_space<vmem>>) offsets(%dma_start3A_973 : memref<72xi32, #tpu.memory_space<vmem>>) semaphore(%arg8 : memref<!tpu.dma_semaphore, #tpu.memory_space<semaphore_mem>>)
      } else {
      }
    }
    %scan3A_196 = arith.constant 8 : i32
    %mul3A_197 = arith.constant 128 : i32
    %mul3A_198 = arith.muli %add3A, %mul3A_197 : i32
    %add3A_199 = arith.constant 120 : i32
    %add3A_200 = arith.addi %mul3A_198, %add3A_199 : i32
    %mul3A_201 = arith.constant 200 : i32
    %mul3A_202 = arith.muli %add3A_200, %mul3A_201 : i32
    %dma_wait3A = arith.constant 2 : i32
    %dma_wait3A_203 = arith.constant 0 : i32
    %dma_wait3A_204 = arith.constant 0 : i32
    %dma_wait3A_205 = tpu.memref_slice %arg6[%dma_wait3A, %dma_wait3A_203, %dma_wait3A_204] : memref<4x800x32xf32, #tpu.memory_space<vmem>> -> memref<1x800x32xf32, #tpu.memory_space<vmem>>
    %dma_wait3A_206 = tpu.memref_squeeze %dma_wait3A_205 : memref<1x800x32xf32, #tpu.memory_space<vmem>> -> memref<800x32xf32, #tpu.memory_space<vmem>>
    %dma_wait3A_207 = arith.constant 0 : i32
    %dma_wait3A_208 = tpu.memref_slice %arg4[%mul3A_202, %dma_wait3A_207] : memref<819200x128xf32, #tpu.memory_space<hbm>> -> memref<800x32xf32, #tpu.memory_space<hbm>>
    %dma_wait3A_209 = arith.constant 0 : i32
    %dma_wait3A_210 = tpu.memref_slice %arg4[%mul3A_202, %dma_wait3A_209] : memref<819200x128xf32, #tpu.memory_space<hbm>> -> memref<800x32xf32, #tpu.memory_space<hbm>>
    %dma_wait3A_211 = arith.constant 0 : i32
    %dma_wait3A_212 = arith.constant 0 : i32
    %dma_wait3A_213 = tpu.memref_slice %arg6[%dma_wait3A, %dma_wait3A_211, %dma_wait3A_212] : memref<4x800x32xf32, #tpu.memory_space<vmem>> -> memref<1x800x32xf32, #tpu.memory_space<vmem>>
    %dma_wait3A_214 = tpu.memref_squeeze %dma_wait3A_213 : memref<1x800x32xf32, #tpu.memory_space<vmem>> -> memref<800x32xf32, #tpu.memory_space<vmem>>
    tpu.wait_dma2 semaphore(%arg13 : memref<!tpu.dma_semaphore, #tpu.memory_space<semaphore_mem>>) src(%dma_wait3A_214 : memref<800x32xf32, #tpu.memory_space<vmem>>) dst(%dma_wait3A_210 : memref<800x32xf32, #tpu.memory_space<hbm>>)
    %mul3A_215 = arith.constant 128 : i32
    %mul3A_216 = arith.muli %add3A, %mul3A_215 : i32
    %add3A_217 = arith.constant 124 : i32
    %add3A_218 = arith.addi %mul3A_216, %add3A_217 : i32
    %mul3A_219 = arith.constant 200 : i32
    %mul3A_220 = arith.muli %add3A_218, %mul3A_219 : i32
    %dma_wait3A_221 = arith.constant 3 : i32
    %dma_wait3A_222 = arith.constant 0 : i32
    %dma_wait3A_223 = arith.constant 0 : i32
    %dma_wait3A_224 = tpu.memref_slice %arg6[%dma_wait3A_221, %dma_wait3A_222, %dma_wait3A_223] : memref<4x800x32xf32, #tpu.memory_space<vmem>> -> memref<1x800x32xf32, #tpu.memory_space<vmem>>
    %dma_wait3A_225 = tpu.memref_squeeze %dma_wait3A_224 : memref<1x800x32xf32, #tpu.memory_space<vmem>> -> memref<800x32xf32, #tpu.memory_space<vmem>>
    %dma_wait3A_226 = arith.constant 0 : i32
    %dma_wait3A_227 = tpu.memref_slice %arg4[%mul3A_220, %dma_wait3A_226] : memref<819200x128xf32, #tpu.memory_space<hbm>> -> memref<800x32xf32, #tpu.memory_space<hbm>>
    %dma_wait3A_228 = arith.constant 0 : i32
    %dma_wait3A_229 = tpu.memref_slice %arg4[%mul3A_220, %dma_wait3A_228] : memref<819200x128xf32, #tpu.memory_space<hbm>> -> memref<800x32xf32, #tpu.memory_space<hbm>>
    %dma_wait3A_230 = arith.constant 0 : i32
    %dma_wait3A_231 = arith.constant 0 : i32
    %dma_wait3A_232 = tpu.memref_slice %arg6[%dma_wait3A_221, %dma_wait3A_230, %dma_wait3A_231] : memref<4x800x32xf32, #tpu.memory_space<vmem>> -> memref<1x800x32xf32, #tpu.memory_space<vmem>>
    %dma_wait3A_233 = tpu.memref_squeeze %dma_wait3A_232 : memref<1x800x32xf32, #tpu.memory_space<vmem>> -> memref<800x32xf32, #tpu.memory_space<vmem>>
    tpu.wait_dma2 semaphore(%arg14 : memref<!tpu.dma_semaphore, #tpu.memory_space<semaphore_mem>>) src(%dma_wait3A_233 : memref<800x32xf32, #tpu.memory_space<vmem>>) dst(%dma_wait3A_229 : memref<800x32xf32, #tpu.memory_space<hbm>>)
    return
  }
}

</mosaic_0001>

<sc_bundles>
// kernel: kernel.3.cloned.1.call-start
scs
__scs_entry_jumppad:
0x0: {  	(pc) =	sbr.rel $0x88, $3  }
0x1: {  	(tag) =	ssettag $0x0;
	lr =	simm.s32 $0x1  }
0x2: {  	[smem:$0x3F9F] =	sst lr;
	_ =	strace $0xD0000000  }
0x3: {  	_ = 	snop  }
0x4: {  	_ = 	snop  }
0x5: {  	_ = 	snop  }
0x6: {  	_ = 	snop  }
0x7: {  	_ = 	snop  }
__scs_overlays_trampoline_lowered:
0x8: {  	[smem:$0x3FAE] =	sst s0  }
0x9: {  	[smem:$0x3FAF] =	sst s1  }
0xa: {  	[smem:$0x3FB0] =	sst s2  }
0xb: {  	[smem:$0x3FB1] =	sst s3  }
0xc: {  	[smem:$0x3FB2] =	sst s4  }
0xd: {  	[smem:$0x3FB3] =	sst s5  }
0xe: {  	[smem:$0x3FB4] =	sst s6  }
0xf: {  	[smem:$0x3FB5] =	sst s7  }
0x10: {  	[smem:$0x3FB6] =	sst s8  }
0x11: {  	[smem:$0x3FB7] =	sst s9;
	s0 =	simm.s32 @!p0 $0x0  }
0x12: {  	s1 =	sld [smem:$0x3F9D];
	s0 =	simm.s32 @p0 $0x1  }
0x13: {  	[smem:$0x3FB8] =	sst s0;
	s0 =	simm.s32 @!p1 $0x0  }
0x14: {  	s2 =	sld [smem:$0x3F9C];
	s0 =	simm.s32 @p1 $0x1  }
0x15: {  	[smem:$0x3FB9] =	sst s0;
	s0 =	simm.s32 @!p2 $0x0  }
0x16: {  	s3 =	sld [smem:$0x3FDB];
	s0 =	simm.s32 @p2 $0x1  }
0x17: {  	s4 =	simm.s32 $0x1BF5;
	[smem:$0x3FBB] =	sst s0  }
0x18: {  	s0 =	sld [smem:$0x3F9E];
	_ =	swait.ge [sflag:s4], $0x0  }
0x19: {  	s7 =	sld [smem:$0x3F9F]  }
0x1a: {  	s8 =	sadd.s32 $0xFFFFE003, lr  }
0x1b: {  	s9 =	sadd.s32 $0xFFFFFEF7, lr;
	s5 =	simm.s32 $0xFFFFFFFF;
	p2 =	slt.u32 s8, $0xFFFFF086  }
0x1c: {  	p1 =	slt.u32 s9, $0xF7A;
	s5 =	simm.s32 @!p2 $0x0  }
0x1d: {  	s5 =	simm.s32 @p1 $0x1;
	p0 =	seq.s32 s7, s2  }
0x1e: {  	s7 =	smul.u32 @!p0 $0xF7A, s2;
	p2 =	seq.s32 @!p0 s5, $0x0  }
0x1f: {  	s9 =	smul.u32 $0xF7A, s1;
	s8 =	simm.s32 @!p0 $0x1BF5;
	p2 =	por !p2, p0  }
0x20: {  	[sflag:s8] =	ssyncset.s32 @!p0 $0xFFFFF086;
	s6 =	sadd.s32 @!p0 s3, s7;
	s7 =	simm.s32 @!p0 $0x108  }
0x21: {  	s3 =	sadd.s32 s3, s9;
	s6 =	sadd.s32 @!p0 $0x88, s6;
	s7 =	simm.s32 @p2 $0x1082  }
0x22: {  	[simem:s7], [sflag:s8] =	dma.local @!p0 [hbm:s6], $0xF7A  }
0x23: {  	s9 =	sor.u32 $0xD0000000, s2;
	s6 =	simm.s32 $0x108;
	_ =	swait.ge @!p0 [sflag:s8], $0x0  }
0x24: {  	s3 =	sadd.s32 $0x88, s3;
	s6 =	simm.s32 @!p1 $0x1082;
	[sflag:s4] =	ssyncset.s32 $0xFFFFF086  }
0x25: {  	[simem:s6], [sflag:s4] =	dma.local [hbm:s3], $0xF7A  }
0x26: {  	[smem:$0x3F9F] =	sst s1;
	(tag) =	ssettag s2;
	_ =	strace s9  }
0x27: {  	s1 =	sld [smem:$0x3FAF]  }
0x28: {  	s2 =	sld [smem:$0x3FB0]  }
0x29: {  	s4 =	sld [smem:$0x3FB2]  }
0x2a: {  	p0 =	seq.s32 s5, $0x0;
	s5 =	sld [smem:$0x3FB3]  }
0x2b: {  	s6 =	sld [smem:$0x3FB4]  }
0x2c: {  	s7 =	sld [smem:$0x3FB5]  }
0x2d: {  	s3 =	simm.s32 $0x108;
	s8 =	sld [smem:$0x3FB6]  }
0x2e: {  	s3 =	simm.s32 @!p0 $0x1082;
	s9 =	sld [smem:$0x3FB7]  }
0x2f: {  	lr =	sadd.s32 s0, s3;
	s0 =	sld [smem:$0x3FAE]  }
0x30: {  	s3 =	sld [smem:$0x3FB1]  }
0x31: {  	[smem:$0x3FBA] =	sst s10  }
0x32: {  	s10 =	sld [smem:$0x3FB8];
	_ =	sdelay $0x3  }
0x33: {  	p0 =	seq.s32 s10, $0x1;
	s10 =	sld [smem:$0x3FBA];
	_ =	sdelay $0x3  }
0x34: {  	[smem:$0x3FBA] =	sst s10  }
0x35: {  	s10 =	sld [smem:$0x3FB9];
	_ =	sdelay $0x3  }
0x36: {  	p1 =	seq.s32 s10, $0x1;
	s10 =	sld [smem:$0x3FBA];
	_ =	sdelay $0x3  }
0x37: {  	[smem:$0x3FBA] =	sst s10  }
0x38: {  	s10 =	sld [smem:$0x3FBB]  }
0x39: {  	_ = 	snop;
	(pc) =	sbr.ind lr, $3  }
0x3a: {  	_ = 	snop  }
0x3b: {  	_ = 	snop  }
0x3c: {  	p2 =	seq.s32 s10, $0x1;
	s10 =	sld [smem:$0x3FBA]  }
0x3d: {  	_ =	shalt  }
0x3e: {  	_ =	shalt  }
0x3f: {  	_ =	shalt  }
0x40: {  	_ =	shalt  }
0x41: {  	_ =	shalt  }
0x42: {  	_ =	shalt  }
0x43: {  	_ =	shalt  }
0x44: {  	_ =	shalt  }
0x45: {  	_ =	shalt  }
0x46: {  	_ =	shalt  }
0x47: {  	_ =	shalt  }
0x48: {  	_ =	shalt  }
0x49: {  	_ =	shalt  }
0x4a: {  	_ =	shalt  }
0x4b: {  	_ =	shalt  }
0x4c: {  	_ =	shalt  }
0x4d: {  	_ =	shalt  }
0x4e: {  	_ =	shalt  }
0x4f: {  	_ =	shalt  }
0x50: {  	_ =	shalt  }
0x51: {  	_ =	shalt  }
0x52: {  	_ =	shalt  }
0x53: {  	_ =	shalt  }
0x54: {  	_ =	shalt  }
0x55: {  	_ =	shalt  }
0x56: {  	_ =	shalt  }
0x57: {  	_ =	shalt  }
0x58: {  	_ =	shalt  }
0x59: {  	_ =	shalt  }
0x5a: {  	_ =	shalt  }
0x5b: {  	_ =	shalt  }
0x5c: {  	_ =	shalt  }
0x5d: {  	_ =	shalt  }
0x5e: {  	_ =	shalt  }
0x5f: {  	_ =	shalt  }
0x60: {  	_ =	shalt  }
0x61: {  	_ =	shalt  }
0x62: {  	_ =	shalt  }
0x63: {  	_ =	shalt  }
0x64: {  	_ =	shalt  }
0x65: {  	_ =	shalt  }
0x66: {  	_ =	shalt  }
0x67: {  	_ =	shalt  }
0x68: {  	_ =	shalt  }
0x69: {  	_ =	shalt  }
0x6a: {  	_ =	shalt  }
0x6b: {  	_ =	shalt  }
0x6c: {  	_ =	shalt  }
0x6d: {  	_ =	shalt  }
0x6e: {  	_ =	shalt  }
0x6f: {  	_ =	shalt  }
0x70: {  	_ =	shalt  }
0x71: {  	_ =	shalt  }
0x72: {  	_ =	shalt  }
0x73: {  	_ =	shalt  }
0x74: {  	_ =	shalt  }
0x75: {  	_ =	shalt  }
0x76: {  	_ =	shalt  }
0x77: {  	_ =	shalt  }
0x78: {  	_ =	shalt  }
0x79: {  	_ =	shalt  }
0x7a: {  	_ =	shalt  }
0x7b: {  	_ =	shalt  }
0x7c: {  	_ =	shalt  }
0x7d: {  	_ =	shalt  }
0x7e: {  	_ =	shalt  }
0x7f: {  	_ =	shalt  }
0x80: {  	_ =	shalt  }
0x81: {  	_ =	shalt  }
0x82: {  	_ =	shalt  }
0x83: {  	_ =	shalt  }
0x84: {  	_ =	shalt  }
0x85: {  	_ =	shalt  }
0x86: {  	_ =	shalt  }
0x87: {  	_ =	shalt  }
.Lfunc_end0:
.L_simem_size_0:
called_computation.1_lowered:
.L_overlay_start_0:
0x88: {  	s2 =	sld [smem:$0x3FD9]  }
0x89: {  	s3 =	sld [smem:$0x3FFE];
	_ =	sdelay $0x1  }
0x8a: {  	s1 =	srdreg.scid  }
0x8b: {  	s0 =	sand.u32 $0x1, s1  }
0x8c: {  	s17 =	sshll.u32 s0, $0xA;
	s2 =	sadd.s32 s3, s2  }
0x8d: {  	s2 =	sadd.s32 s2, s17  }
0x8e: {  	[smem:$0x3FC6] =	sst s2  }
0x8f: {  	_ = 	snop  }
0x90: {  	s2 =	sld [smem:$0x3FD0];
	(tm) =	ssettm $0x1  }
0x91: {  	s18 =	sld [smem:$0x3FFB];
	_ =	sdelay $0x3  }
0x92: {  	_ =	strace s18  }
0x93: {  	s3 =	sld [smem:$0x3FFC];
	_ =	sdelay $0x3  }
0x94: {  	_ =	strace s3  }
0x95: {  	s3 =	sld [smem:$0x3FFD];
	_ =	sdelay $0x3  }
0x96: {  	_ =	strace s3  }
0x97: {  	_ =	strace $0x8FFFFFFF  }
0x98: {  	s19 =	sld [smem:$0x3FDB];
	_ =	sdelay $0x1  }
0x99: {  	s4 =	simm.s32 $_scs_section_size  }
0x9a: {  	s5 =	simm.s32 $_size__tile_overlayer_lowered;
	s6 =	simm.s32 $_tile_overlayer_lowered  }
0x9b: {  	s22 =	simm.s32 $0x1BFF;
	s21 =	sshll.u32 s6, $0x1;
	s3 =	sadd.s32 s4, s19  }
0x9c: {  	s7 =	simm.s32 $0x0;
	s20 =	sshll.u32 s5, $0x1;
	s5 =	sadd.s32 s21, s3  }
0x9d: {  	[timem:s7], [sflag:s22] =	dma.local [hbm:s5], s20  }
0x9e: {  	_ =	swait.ge [sflag:s22], s20  }
0x9f: {  	s4 =	ssub.s32 $0x0, s20;
	[sflag:s22] =	ssyncset.done $0x0  }
0xa0: {  	[sflag:s22] =	ssyncadd.s32 s4;
	_ =	sdelay $0x1  }
0xa1: {  	s23 =	simm.s32 $0x1B8B  }
0xa2: {  	_ =	swait.ge [sflag:s23], $0x1  }
0xa3: {  	[sflag:s23] =	ssyncset.done $0x0  }
0xa4: {  	s25 =	simm.s32 $0x1B8E;
	s24 =	sld [smem:$0x3FFE];
	[sflag:s23] =	ssyncadd.s32 $0xFFFFFFFF  }
0xa5: {  	s26 =	simm.s32 $execute0_lowered;
	[smem:$0x3FD2] =	sst s25  }
0xa6: {  	s5 =	sshll.u32 s26, $0x1;
	_ =	strace $0x80000046;
	[dreg:$0x1] =	wrdreg $0xFFFFFFFF  }
0xa7: {  	s28 =	simm.s32 $_size_execute0_lowered;
	s3 =	sadd.s32 s3, s5;
	[dreg:$0x0] =	wrdreg $0x0  }
0xa8: {  	s5 =	sshll.u32 s28, $0x1;
	[dreg:$0x2] =	wrdreg s3  }
0xa9: {  	[dreg:$0x3] =	wrdreg s5  }
0xaa: {  	[dreg:$0x4] =	wrdreg $0xC0  }
0xab: {  	_ =	task [dreg:s7], $0x5FFFF  }
0xac: {  	[dreg:$0x1] =	wrdreg $0xFFFFFFFF  }
0xad: {  	[dreg:$0x0] =	wrdreg $0x60  }
0xae: {  	[dreg:$0x2] =	wrdreg s2  }
0xaf: {  	[dreg:$0x3] =	wrdreg s24  }
0xb0: {  	[dreg:$0x4] =	wrdreg $0x9  }
0xb1: {  	_ =	task.clear_ibuf [dreg:s7], $0x5FFFF;
	_ =	strace $0x90000046  }
0xb2: {  	s29 =	simm.s32 $0x9;
	_ =	strace $0x80000048  }
0xb3: {  	_ =	swait.ge [sflag:s29], $0x1  }
0xb4: {  	[sflag:s29] =	ssyncadd.s32 $0xFFFFFFFF  }
0xb5: {  	_ =	strace $0x90000048  }
0xb6: {  	_ =	sfence  }
0xb7: {  	s30 =	sld [smem:$0x0];
	_ =	sdelay $0x2  }
0xb8: {  	s31 =	sshll.u32 s1, $0xD;
	s1 =	sshrl.u32 s1, $0x2  }
0xb9: {  	s3 =	sand.u32 $0x4000, s31;
	s1 =	sadd.s32 s1, s30  }
0xba: {  	s0 =	sor.u32 s3, s0;
	s1 =	sshll.u32 s1, $0x11  }
0xbb: {  	s0 =	sor.u32 s1, s0  }
0xbc: {  	s0 =	sadd.s32 $0x8F2B, s0  }
0xbd: {  	[sflag:s0] =	ssyncadd.remote.s32 $0x1  }
0xbe: {  	_ =	sfence.sel $0xFFFF  }
0xbf: {  	[dreg:$0x0] =	wrdreg $0xFFFFFFFF;
	(pc) =	sbr.abs _section_cstart, $3  }
0xc0: {  	[dreg:$0x1] =	wrdreg $0xFFFFFFFF  }
0xc1: {  	_ =	task.clear_ibuf [dreg:s7], $0x2FFFF;
	_ =	strace $0x9FFFFFFF  }
0xc2: {  	(tm) =	ssettm $0x7FFFFFFF  }
0xc3: {  	_ =	shalt  }
tec
execute0_lowered:
.L_overlay_start_1:
0x0: {  	(tag) =	ssettag $0x1  }
0x1: {  	s0 =	rddreg [dreg:$0x0]  }
0x2: {  	s1 =	rddreg [dreg:$0x1]  }
0x3: {  	s4 =	stileid.u32;
	s2 =	srdreg.scid  }
0x4: {  	s5 =	simm.s32 $0x0;
	s8 =	simm.s32 $0x80;
	s10 =	simm.s32 $0x48  }
0x5: {  	s18 =	simm.s32 $0x1;
	s19 =	simm.s32 $0x20;
	s20 =	simm.s32 $0x12C00  }
0x6: {  	s29 =	simm.s32 $0x17700;
	s31 =	simm.s32 $0x18700;
	s12 =	simm.s32 $0x19000  }
0x7: {  	s14 =	simm.s32 $0x1A000;
	s16 =	simm.s32 $0x1A900;
	s9 =	simm.s32 $0x3  }
0x8: {  	s28 =	simm.s32 $0x5;
	s30 =	simm.s32 $0x4;
	s15 =	simm.s32 $0x0  }
0x9: {  	s2 =	sand.u32 $0x1, s2;
	s3 =	sshll.u32 s4, $0x1;
	s4 =	smul.u32 $0xC8000, s4  }
0xa: {  	[smem:$0x7FF] =	sst s5;
	s5 =	simm.s32 $0x1D200;
	s3 =	sor.u32 s2, s3  }
0xb: {  	s23 =	ssub.s32 $0x2, s2;
	_ =	strace $0x80000047;
	s2 =	smul.u32 $0x64000, s2  }
0xc: {  	s6 =	smul.u32 $0xC80, s3;
	s7 =	sshrl.u32 s23, $0x1;
	s3 =	sadd.s32 $0xF42E00, s1  }
0xd: {  	s1 =	sadd.s32 s4, s1;
	s4 =	simm.s32 $0x1C200;
	s24 =	ssub.s32 s23, s7  }
.Ltmp0:
0xe: {  	s26 =	sadd.s32 s2, s1;
	s1 =	simm.s32 $0x2;
	(pc) =	sbr.rel .LBB2_1-.Ltmp0, $4  }
0xf: {  	s2 =	simm.s32 $0x1B900;
	s7 =	simm.s32 $0x1EB00;
	s0 =	sadd.s32 s0, s6  }
0x10: {  	s25 =	smax.u32 s24, $0x1;
	s6 =	simm.s32 $0x1DB00;
	[dreg:$0x3] =	wrdreg s0  }
0x11: {  	[dreg:$0x4] =	wrdreg s25;
	s0 =	sadd.s32 $0xA00, s26;
	s25 =	simm.s32 $0xC800  }
0x12: {  	s26 =	simm.s32 $0x16E00;
	[dreg:$0x5] =	wrdreg s0;
	s0 =	simm.s32 $0x6  }
.LBB2_4:
0x13: {  	s11 =	simm.s32 $0x7  }
0x14: {  	_ =	swait.ge [sflag:s11], $0x6400  }
0x15: {  	[sflag:s11] =	ssyncset.done $0x0  }
0x16: {  	s13 =	simm.s32 $0x8;
	[sflag:s11] =	ssyncadd.s32 $0xFFFF9C00  }
0x17: {  	_ =	swait.ge [sflag:s13], $0x6400  }
0x18: {  	s15 =	rddreg [dreg:$0x6]  }
0x19: {  	s24 =	rddreg [dreg:$0x4];
	s15 =	sadd.s32 $0x1, s15  }
0x1a: {  	p0 =	sne.s32 s15, s24  }
.Ltmp1:
0x1b: {  	_ = 	snop;
	(pc) =	sbr.rel @!p0 .LBB2_5-.Ltmp1, $3  }
0x1c: {  	_ =	sdelay $0x1  }
0x1d: {  	[sflag:s13] =	ssyncset.done $0x0  }
0x1e: {  	[sflag:s13] =	ssyncadd.s32 $0xFFFF9C00  }
.LBB2_1:
0x1f: {  	[dreg:$0x6] =	wrdreg s15  }
0x20: {  	s11 =	simm.s32 $0x0;
	s13 =	rddreg [dreg:$0x3];
	s17 =	simm.s32 $0x9  }
0x21: {  	[tilespmem:s11], [sflag:$0x9] =	stream.linear.gather [hbm4b:s13+s11], $0x6400, $0x38;
	[tilespmem:$0x1F400] =	vst v63  }
0x22: {  	_ =	swait.ge [sflag:s17], $0x6400  }
0x23: {  	[sflag:s17] =	ssyncset.done $0x0  }
0x24: {  	s21 =	simm.s32 $0x6400;
	[sflag:s17] =	ssyncadd.s32 $0xFFFF9C00  }
0x25: {  	[tilespmem:s21], [sflag:$0x1] =	stream.indirect.gather [hbm4b:s3+s8], $0x20, s11, s8, $0xb8;
	[tilespmem:$0x1F400] =	vst v63  }
0x26: {  	s22 =	simm.s32 $0x7400  }
0x27: {  	[tilespmem:s22], [sflag:$0x1] =	stream.indirect.gather [hbm4b:s3+s10], $0x20, s8, s10, $0xb8;
	[tilespmem:$0x1F400] =	vst v63  }
0x28: {  	s23 =	simm.s32 $0xC8;
	s24 =	simm.s32 $0x7D00  }
0x29: {  	[tilespmem:s24], [sflag:$0x1] =	stream.indirect.gather [hbm4b:s3+s8], $0x20, s23, s8, $0xb8;
	[tilespmem:$0x1F400] =	vst v63  }
0x2a: {  	s15 =	simm.s32 $0x148;
	s17 =	simm.s32 $0x8D00  }
0x2b: {  	[tilespmem:s17], [sflag:$0x1] =	stream.indirect.gather [hbm4b:s3+s10], $0x20, s15, s10, $0xb8;
	[tilespmem:$0x1F400] =	vst v63  }
0x2c: {  	s21 =	simm.s32 $0x190;
	s22 =	simm.s32 $0x9600  }
0x2d: {  	[tilespmem:s22], [sflag:$0x1] =	stream.indirect.gather [hbm4b:s3+s8], $0x20, s21, s8, $0xb8;
	[tilespmem:$0x1F400] =	vst v63  }
0x2e: {  	s23 =	simm.s32 $0x210;
	s24 =	simm.s32 $0xA600  }
0x2f: {  	[tilespmem:s24], [sflag:$0x1] =	stream.indirect.gather [hbm4b:s3+s10], $0x20, s23, s10, $0xb8;
	[tilespmem:$0x1F400] =	vst v63  }
0x30: {  	s13 =	simm.s32 $0x258;
	s15 =	simm.s32 $0xAF00  }
0x31: {  	[tilespmem:s15], [sflag:$0x1] =	stream.indirect.gather [hbm4b:s3+s8], $0x20, s13, s8, $0xb8;
	[tilespmem:$0x1F400] =	vst v63  }
0x32: {  	s17 =	simm.s32 $0x2D8;
	s21 =	simm.s32 $0xBF00  }
0x33: {  	[tilespmem:s21], [sflag:$0x1] =	stream.indirect.gather [hbm4b:s3+s10], $0x20, s17, s10, $0xb8;
	[tilespmem:$0x1F400] =	vst v63  }
0x34: {  	s22 =	simm.s32 $0x320  }
0x35: {  	[tilespmem:s25], [sflag:$0x2] =	stream.indirect.gather [hbm4b:s3+s8], $0x20, s22, s8, $0xb8;
	[tilespmem:$0x1F400] =	vst v63  }
0x36: {  	s23 =	simm.s32 $0x3A0;
	s24 =	simm.s32 $0xD800  }
0x37: {  	[tilespmem:s24], [sflag:$0x2] =	stream.indirect.gather [hbm4b:s3+s10], $0x20, s23, s10, $0xb8;
	[tilespmem:$0x1F400] =	vst v63  }
0x38: {  	s15 =	simm.s32 $0x3E8;
	s17 =	simm.s32 $0xE100  }
0x39: {  	[tilespmem:s17], [sflag:$0x2] =	stream.indirect.gather [hbm4b:s3+s8], $0x20, s15, s8, $0xb8;
	[tilespmem:$0x1F400] =	vst v63  }
0x3a: {  	s21 =	simm.s32 $0x468;
	s22 =	simm.s32 $0xF100  }
0x3b: {  	[tilespmem:s22], [sflag:$0x2] =	stream.indirect.gather [hbm4b:s3+s10], $0x20, s21, s10, $0xb8;
	[tilespmem:$0x1F400] =	vst v63  }
0x3c: {  	s23 =	simm.s32 $0x4B0;
	s24 =	simm.s32 $0xFA00  }
0x3d: {  	[tilespmem:s24], [sflag:$0x2] =	stream.indirect.gather [hbm4b:s3+s8], $0x20, s23, s8, $0xb8;
	[tilespmem:$0x1F400] =	vst v63  }
0x3e: {  	s15 =	simm.s32 $0x530;
	s17 =	simm.s32 $0x10A00  }
0x3f: {  	[tilespmem:s17], [sflag:$0x2] =	stream.indirect.gather [hbm4b:s3+s10], $0x20, s15, s10, $0xb8;
	[tilespmem:$0x1F400] =	vst v63  }
0x40: {  	s11 =	rddreg [dreg:$0x5];
	s21 =	simm.s32 $0x578;
	s22 =	simm.s32 $0x11300  }
0x41: {  	[tilespmem:s22], [sflag:$0x2] =	stream.indirect.gather [hbm4b:s3+s8], $0x20, s21, s8, $0xb8;
	[tilespmem:$0x1F400] =	vst v63  }
0x42: {  	s13 =	simm.s32 $0x0;
	s23 =	simm.s32 $0x5F8;
	s24 =	simm.s32 $0x12300  }
0x43: {  	[tilespmem:s24], [sflag:$0x2] =	stream.indirect.gather [hbm4b:s3+s10], $0x20, s23, s10, $0xb8;
	[tilespmem:$0x1F400] =	vst v63  }
.LBB2_2:
0x44: {  	_ =	swait.ge [sflag:s18], $0x1000  }
0x45: {  	[sflag:s18] =	ssyncset.done $0x0  }
0x46: {  	[sflag:s18] =	ssyncadd.s32 $0xFFFFF000  }
0x47: {  	_ =	swait.ge [sflag:s18], $0x900  }
0x48: {  	[sflag:s18] =	ssyncset.done $0x0  }
0x49: {  	[sflag:s18] =	ssyncadd.s32 $0xFFFFF700  }
0x4a: {  	_ =	swait.ge [sflag:s18], $0x1000  }
0x4b: {  	[sflag:s18] =	ssyncset.done $0x0  }
0x4c: {  	[sflag:s18] =	ssyncadd.s32 $0xFFFFF000  }
0x4d: {  	_ =	swait.ge [sflag:s18], $0x900  }
0x4e: {  	[sflag:s18] =	ssyncset.done $0x0  }
0x4f: {  	[sflag:s18] =	ssyncadd.s32 $0xFFFFF700  }
0x50: {  	_ =	swait.ge [sflag:s18], $0x1000  }
0x51: {  	[sflag:s18] =	ssyncset.done $0x0  }
0x52: {  	[sflag:s18] =	ssyncadd.s32 $0xFFFFF000  }
0x53: {  	_ =	swait.ge [sflag:s18], $0x900  }
0x54: {  	[sflag:s18] =	ssyncset.done $0x0  }
0x55: {  	[sflag:s18] =	ssyncadd.s32 $0xFFFFF700  }
0x56: {  	_ =	swait.ge [sflag:s18], $0x1000  }
0x57: {  	[sflag:s18] =	ssyncset.done $0x0  }
0x58: {  	[sflag:s18] =	ssyncadd.s32 $0xFFFFF000  }
0x59: {  	_ =	swait.ge [sflag:s18], $0x900  }
0x5a: {  	p0 =	seq.s32 s13, $0x0;
	[sflag:s18] =	ssyncset.done $0x0  }
0x5b: {  	s15 =	simm.s32 $0x6400;
	s17 =	simm.s32 @!p0 $0x7;
	[sflag:s18] =	ssyncadd.s32 $0xFFFFF700  }
0x5c: {  	[hbm4b:s11+s19] =	stream.strided.scatter [tilespmem:s15], [sflag:$0x5], $0x6400, s8, s19, $0x38;
	[tilespmem:$0x1F400] =	vst v63  }
0x5d: {  	_ =	swait.ge @!p0 [sflag:s17], $0x6400  }
0x5e: {  	s15 =	sshra.s32 s13, $0x2;
	[sflag:s17] =	ssyncset.done @!p0 $0x0  }
0x5f: {  	s23 =	sadd.s32 $0x640, s15;
	[sflag:s17] =	ssyncadd.s32 @!p0 $0xFFFF9C00  }
0x60: {  	[tilespmem:s20], [sflag:$0x3] =	stream.indirect.gather [hbm4b:s3+s8], $0x20, s23, s8, $0xb8;
	[tilespmem:$0x1F400] =	vst v63  }
0x61: {  	s21 =	simm.s32 $0x13C00;
	s24 =	sadd.s32 $0x6C0, s15  }
0x62: {  	[tilespmem:s21], [sflag:$0x3] =	stream.indirect.gather [hbm4b:s3+s10], $0x20, s24, s10, $0xb8;
	[tilespmem:$0x1F400] =	vst v63  }
0x63: {  	s22 =	simm.s32 $0x14500;
	s21 =	sadd.s32 $0x708, s15  }
0x64: {  	[tilespmem:s22], [sflag:$0x3] =	stream.indirect.gather [hbm4b:s3+s8], $0x20, s21, s8, $0xb8;
	[tilespmem:$0x1F400] =	vst v63  }
0x65: {  	s23 =	sadd.s32 $0x788, s15;
	s24 =	simm.s32 $0x15500  }
0x66: {  	[tilespmem:s24], [sflag:$0x3] =	stream.indirect.gather [hbm4b:s3+s10], $0x20, s23, s10, $0xb8;
	[tilespmem:$0x1F400] =	vst v63  }
0x67: {  	s21 =	sadd.s32 $0x7D0, s15;
	s22 =	simm.s32 $0x15E00  }
0x68: {  	[tilespmem:s22], [sflag:$0x3] =	stream.indirect.gather [hbm4b:s3+s8], $0x20, s21, s8, $0xb8;
	[tilespmem:$0x1F400] =	vst v63  }
0x69: {  	s23 =	sadd.s32 $0x850, s15  }
0x6a: {  	[tilespmem:s26], [sflag:$0x3] =	stream.indirect.gather [hbm4b:s3+s10], $0x20, s23, s10, $0xb8;
	[tilespmem:$0x1F400] =	vst v63  }
0x6b: {  	s24 =	sadd.s32 $0x898, s15  }
0x6c: {  	[tilespmem:s29], [sflag:$0x3] =	stream.indirect.gather [hbm4b:s3+s8], $0x20, s24, s8, $0xb8;
	[tilespmem:$0x1F400] =	vst v63  }
0x6d: {  	s21 =	sadd.s32 $0x918, s15  }
0x6e: {  	[tilespmem:s31], [sflag:$0x3] =	stream.indirect.gather [hbm4b:s3+s10], $0x20, s21, s10, $0xb8;
	[tilespmem:$0x1F400] =	vst v63  }
0x6f: {  	_ =	swait.ge [sflag:s1], $0x1000  }
0x70: {  	[sflag:s1] =	ssyncset.done $0x0  }
0x71: {  	[sflag:s1] =	ssyncadd.s32 $0xFFFFF000  }
0x72: {  	_ =	swait.ge [sflag:s1], $0x900  }
0x73: {  	[sflag:s1] =	ssyncset.done $0x0  }
0x74: {  	[sflag:s1] =	ssyncadd.s32 $0xFFFFF700  }
0x75: {  	_ =	swait.ge [sflag:s1], $0x1000  }
0x76: {  	[sflag:s1] =	ssyncset.done $0x0  }
0x77: {  	[sflag:s1] =	ssyncadd.s32 $0xFFFFF000  }
0x78: {  	_ =	swait.ge [sflag:s1], $0x900  }
0x79: {  	[sflag:s1] =	ssyncset.done $0x0  }
0x7a: {  	[sflag:s1] =	ssyncadd.s32 $0xFFFFF700  }
0x7b: {  	_ =	swait.ge [sflag:s1], $0x1000  }
0x7c: {  	[sflag:s1] =	ssyncset.done $0x0  }
0x7d: {  	[sflag:s1] =	ssyncadd.s32 $0xFFFFF000  }
0x7e: {  	_ =	swait.ge [sflag:s1], $0x900  }
0x7f: {  	[sflag:s1] =	ssyncset.done $0x0  }
0x80: {  	[sflag:s1] =	ssyncadd.s32 $0xFFFFF700  }
0x81: {  	_ =	swait.ge [sflag:s1], $0x1000  }
0x82: {  	[sflag:s1] =	ssyncset.done $0x0  }
0x83: {  	[sflag:s1] =	ssyncadd.s32 $0xFFFFF000  }
0x84: {  	_ =	swait.ge [sflag:s1], $0x900  }
0x85: {  	[sflag:s1] =	ssyncset.done $0x0  }
0x86: {  	s17 =	simm.s32 @!p0 $0x8;
	s22 =	sadd.s32 $0x3200, s11;
	[sflag:s1] =	ssyncadd.s32 $0xFFFFF700  }
0x87: {  	[hbm4b:s22+s19] =	stream.strided.scatter [tilespmem:s25], [sflag:$0x6], $0x6400, s8, s19, $0x38;
	[tilespmem:$0x1F400] =	vst v63  }
0x88: {  	_ =	swait.ge @!p0 [sflag:s17], $0x6400  }
0x89: {  	[sflag:s17] =	ssyncset.done @!p0 $0x0  }
0x8a: {  	s23 =	sadd.s32 $0x960, s15;
	[sflag:s17] =	ssyncadd.s32 @!p0 $0xFFFF9C00  }
0x8b: {  	[tilespmem:s12], [sflag:$0x4] =	stream.indirect.gather [hbm4b:s3+s8], $0x20, s23, s8, $0xb8;
	[tilespmem:$0x1F400] =	vst v63  }
0x8c: {  	s24 =	sadd.s32 $0x9E0, s15  }
0x8d: {  	[tilespmem:s14], [sflag:$0x4] =	stream.indirect.gather [hbm4b:s3+s10], $0x20, s24, s10, $0xb8;
	[tilespmem:$0x1F400] =	vst v63  }
0x8e: {  	s21 =	sadd.s32 $0xA28, s15  }
0x8f: {  	[tilespmem:s16], [sflag:$0x4] =	stream.indirect.gather [hbm4b:s3+s8], $0x20, s21, s8, $0xb8;
	[tilespmem:$0x1F400] =	vst v63  }
0x90: {  	s22 =	sadd.s32 $0xAA8, s15  }
0x91: {  	[tilespmem:s2], [sflag:$0x4] =	stream.indirect.gather [hbm4b:s3+s10], $0x20, s22, s10, $0xb8;
	[tilespmem:$0x1F400] =	vst v63  }
0x92: {  	s23 =	sadd.s32 $0xAF0, s15  }
0x93: {  	[tilespmem:s4], [sflag:$0x4] =	stream.indirect.gather [hbm4b:s3+s8], $0x20, s23, s8, $0xb8;
	[tilespmem:$0x1F400] =	vst v63  }
0x94: {  	s24 =	sadd.s32 $0xB70, s15  }
0x95: {  	[tilespmem:s5], [sflag:$0x4] =	stream.indirect.gather [hbm4b:s3+s10], $0x20, s24, s10, $0xb8;
	[tilespmem:$0x1F400] =	vst v63  }
0x96: {  	s21 =	sadd.s32 $0xBB8, s15  }
0x97: {  	[tilespmem:s6], [sflag:$0x4] =	stream.indirect.gather [hbm4b:s3+s8], $0x20, s21, s8, $0xb8;
	[tilespmem:$0x1F400] =	vst v63  }
0x98: {  	s22 =	sadd.s32 $0xC38, s15  }
0x99: {  	[tilespmem:s7], [sflag:$0x4] =	stream.indirect.gather [hbm4b:s3+s10], $0x20, s22, s10, $0xb8;
	[tilespmem:$0x1F400] =	vst v63  }
0x9a: {  	_ =	swait.ge [sflag:s9], $0x1000  }
0x9b: {  	[sflag:s9] =	ssyncset.done $0x0  }
0x9c: {  	[sflag:s9] =	ssyncadd.s32 $0xFFFFF000  }
0x9d: {  	_ =	swait.ge [sflag:s9], $0x900  }
0x9e: {  	[sflag:s9] =	ssyncset.done $0x0  }
0x9f: {  	[sflag:s9] =	ssyncadd.s32 $0xFFFFF700  }
0xa0: {  	_ =	swait.ge [sflag:s9], $0x1000  }
0xa1: {  	[sflag:s9] =	ssyncset.done $0x0  }
0xa2: {  	[sflag:s9] =	ssyncadd.s32 $0xFFFFF000  }
0xa3: {  	_ =	swait.ge [sflag:s9], $0x900  }
0xa4: {  	[sflag:s9] =	ssyncset.done $0x0  }
0xa5: {  	[sflag:s9] =	ssyncadd.s32 $0xFFFFF700  }
0xa6: {  	_ =	swait.ge [sflag:s9], $0x1000  }
0xa7: {  	[sflag:s9] =	ssyncset.done $0x0  }
0xa8: {  	[sflag:s9] =	ssyncadd.s32 $0xFFFFF000  }
0xa9: {  	_ =	swait.ge [sflag:s9], $0x900  }
0xaa: {  	[sflag:s9] =	ssyncset.done $0x0  }
0xab: {  	[sflag:s9] =	ssyncadd.s32 $0xFFFFF700  }
0xac: {  	_ =	swait.ge [sflag:s9], $0x1000  }
0xad: {  	[sflag:s9] =	ssyncset.done $0x0  }
0xae: {  	[sflag:s9] =	ssyncadd.s32 $0xFFFFF000  }
0xaf: {  	_ =	swait.ge [sflag:s9], $0x900  }
0xb0: {  	[sflag:s9] =	ssyncset.done $0x0  }
0xb1: {  	p0 =	seq.s32 s13, $0x15E00;
	s23 =	sadd.s32 $0x6400, s11;
	[sflag:s9] =	ssyncadd.s32 $0xFFFFF700  }
0xb2: {  	[hbm4b:s23+s19] =	stream.strided.scatter [tilespmem:s20], [sflag:$0x7], $0x6400, s8, s19, $0x38;
	[tilespmem:$0x1F400] =	vst v63  }
0xb3: {  	s17 =	sshra.s32 @!p0 s13, $0x2;
	_ =	swait.ge [sflag:s28], $0x6400  }
0xb4: {  	s21 =	sadd.s32 @!p0 $0xC80, s17;
	[sflag:s28] =	ssyncset.done $0x0  }
0xb5: {  	s22 =	simm.s32 @!p0 $0x80;
	s23 =	simm.s32 @!p0 $0x6400;
	[sflag:s28] =	ssyncadd.s32 $0xFFFF9C00  }
0xb6: {  	[tilespmem:s23], [sflag:$0x1] =	stream.indirect.gather @!p0 [hbm4b:s3+s22], $0x20, s21, s22, $0xb8;
	[tilespmem:$0x1F400] =	vst v63  }
0xb7: {  	s24 =	simm.s32 @!p0 $0x7400;
	s21 =	sadd.s32 @!p0 $0xD00, s17;
	s23 =	simm.s32 @!p0 $0x48  }
0xb8: {  	[tilespmem:s24], [sflag:$0x1] =	stream.indirect.gather @!p0 [hbm4b:s3+s23], $0x20, s21, s23, $0xb8;
	[tilespmem:$0x1F400] =	vst v63  }
0xb9: {  	s21 =	sadd.s32 @!p0 $0xD48, s17;
	s24 =	simm.s32 @!p0 $0x7D00  }
0xba: {  	[tilespmem:s24], [sflag:$0x1] =	stream.indirect.gather @!p0 [hbm4b:s3+s22], $0x20, s21, s22, $0xb8;
	[tilespmem:$0x1F400] =	vst v63  }
0xbb: {  	s21 =	sadd.s32 @!p0 $0xDC8, s17;
	s24 =	simm.s32 @!p0 $0x8D00  }
0xbc: {  	[tilespmem:s24], [sflag:$0x1] =	stream.indirect.gather @!p0 [hbm4b:s3+s23], $0x20, s21, s23, $0xb8;
	[tilespmem:$0x1F400] =	vst v63  }
0xbd: {  	s21 =	sadd.s32 @!p0 $0xE10, s17;
	s24 =	simm.s32 @!p0 $0x9600  }
0xbe: {  	[tilespmem:s24], [sflag:$0x1] =	stream.indirect.gather @!p0 [hbm4b:s3+s22], $0x20, s21, s22, $0xb8;
	[tilespmem:$0x1F400] =	vst v63  }
0xbf: {  	s21 =	sadd.s32 @!p0 $0xE90, s17;
	s24 =	simm.s32 @!p0 $0xA600  }
0xc0: {  	[tilespmem:s24], [sflag:$0x1] =	stream.indirect.gather @!p0 [hbm4b:s3+s23], $0x20, s21, s23, $0xb8;
	[tilespmem:$0x1F400] =	vst v63  }
0xc1: {  	s21 =	sadd.s32 @!p0 $0xED8, s17;
	s24 =	simm.s32 @!p0 $0xAF00  }
0xc2: {  	[tilespmem:s24], [sflag:$0x1] =	stream.indirect.gather @!p0 [hbm4b:s3+s22], $0x20, s21, s22, $0xb8;
	[tilespmem:$0x1F400] =	vst v63  }
0xc3: {  	s17 =	sadd.s32 @!p0 $0xF58, s17;
	s21 =	simm.s32 @!p0 $0xBF00  }
0xc4: {  	[tilespmem:s21], [sflag:$0x1] =	stream.indirect.gather @!p0 [hbm4b:s3+s23], $0x20, s17, s23, $0xb8;
	[tilespmem:$0x1F400] =	vst v63  }
0xc5: {  	_ =	swait.ge [sflag:s30], $0x1000  }
0xc6: {  	[sflag:s30] =	ssyncset.done $0x0  }
0xc7: {  	[sflag:s30] =	ssyncadd.s32 $0xFFFFF000  }
0xc8: {  	_ =	swait.ge [sflag:s30], $0x900  }
0xc9: {  	[sflag:s30] =	ssyncset.done $0x0  }
0xca: {  	[sflag:s30] =	ssyncadd.s32 $0xFFFFF700  }
0xcb: {  	_ =	swait.ge [sflag:s30], $0x1000  }
0xcc: {  	[sflag:s30] =	ssyncset.done $0x0  }
0xcd: {  	[sflag:s30] =	ssyncadd.s32 $0xFFFFF000  }
0xce: {  	_ =	swait.ge [sflag:s30], $0x900  }
0xcf: {  	[sflag:s30] =	ssyncset.done $0x0  }
0xd0: {  	[sflag:s30] =	ssyncadd.s32 $0xFFFFF700  }
0xd1: {  	_ =	swait.ge [sflag:s30], $0x1000  }
0xd2: {  	[sflag:s30] =	ssyncset.done $0x0  }
0xd3: {  	[sflag:s30] =	ssyncadd.s32 $0xFFFFF000  }
0xd4: {  	_ =	swait.ge [sflag:s30], $0x900  }
0xd5: {  	[sflag:s30] =	ssyncset.done $0x0  }
0xd6: {  	[sflag:s30] =	ssyncadd.s32 $0xFFFFF700  }
0xd7: {  	_ =	swait.ge [sflag:s30], $0x1000  }
0xd8: {  	[sflag:s30] =	ssyncset.done $0x0  }
0xd9: {  	[sflag:s30] =	ssyncadd.s32 $0xFFFFF000  }
0xda: {  	_ =	swait.ge [sflag:s30], $0x900  }
0xdb: {  	[sflag:s30] =	ssyncset.done $0x0  }
.Ltmp2:
0xdc: {  	s24 =	sadd.s32 $0x9600, s11;
	[sflag:s30] =	ssyncadd.s32 $0xFFFFF700;
	(pc) =	sbr.rel @p0 .LBB2_4-.Ltmp2, $4  }
0xdd: {  	[hbm4b:s24+s19] =	stream.strided.scatter [tilespmem:s12], [sflag:$0x8], $0x6400, s8, s19, $0x38;
	[tilespmem:$0x1F400] =	vst v63  }
0xde: {  	_ =	swait.ge [sflag:s0], $0x6400  }
0xdf: {  	[sflag:s0] =	ssyncset.done $0x0  }
0xe0: {  	[sflag:s0] =	ssyncadd.s32 $0xFFFF9C00  }
0xe1: {  	s17 =	sadd.s32 $0xFA0, s15  }
0xe2: {  	[tilespmem:s25], [sflag:$0x2] =	stream.indirect.gather [hbm4b:s3+s8], $0x20, s17, s8, $0xb8;
	[tilespmem:$0x1F400] =	vst v63  }
0xe3: {  	s24 =	sadd.s32 $0x1020, s15;
	s21 =	simm.s32 $0xD800  }
0xe4: {  	[tilespmem:s21], [sflag:$0x2] =	stream.indirect.gather [hbm4b:s3+s10], $0x20, s24, s10, $0xb8;
	[tilespmem:$0x1F400] =	vst v63  }
0xe5: {  	s22 =	simm.s32 $0xE100;
	s21 =	sadd.s32 $0x1068, s15  }
0xe6: {  	[tilespmem:s22], [sflag:$0x2] =	stream.indirect.gather [hbm4b:s3+s8], $0x20, s21, s8, $0xb8;
	[tilespmem:$0x1F400] =	vst v63  }
0xe7: {  	s23 =	sadd.s32 $0x10E8, s15;
	s24 =	simm.s32 $0xF100  }
0xe8: {  	[tilespmem:s24], [sflag:$0x2] =	stream.indirect.gather [hbm4b:s3+s10], $0x20, s23, s10, $0xb8;
	[tilespmem:$0x1F400] =	vst v63  }
0xe9: {  	s21 =	sadd.s32 $0x1130, s15;
	s22 =	simm.s32 $0xFA00  }
0xea: {  	[tilespmem:s22], [sflag:$0x2] =	stream.indirect.gather [hbm4b:s3+s8], $0x20, s21, s8, $0xb8;
	[tilespmem:$0x1F400] =	vst v63  }
0xeb: {  	s23 =	sadd.s32 $0x11B0, s15;
	s24 =	simm.s32 $0x10A00  }
0xec: {  	[tilespmem:s24], [sflag:$0x2] =	stream.indirect.gather [hbm4b:s3+s10], $0x20, s23, s10, $0xb8;
	[tilespmem:$0x1F400] =	vst v63  }
.Ltmp3:
0xed: {  	_ = 	snop;
	(pc) =	sbr.rel .LBB2_2-.Ltmp3, $4  }
0xee: {  	s13 =	sadd.s32 $0x3200, s13;
	s21 =	sadd.s32 $0x11F8, s15;
	s22 =	simm.s32 $0x11300  }
0xef: {  	[tilespmem:s22], [sflag:$0x2] =	stream.indirect.gather [hbm4b:s3+s8], $0x20, s21, s8, $0xb8;
	[tilespmem:$0x1F400] =	vst v63  }
0xf0: {  	s11 =	sadd.s32 $0xC800, s11;
	s23 =	sadd.s32 $0x1278, s15;
	s24 =	simm.s32 $0x12300  }
0xf1: {  	[tilespmem:s24], [sflag:$0x2] =	stream.indirect.gather [hbm4b:s3+s10], $0x20, s23, s10, $0xb8;
	[tilespmem:$0x1F400] =	vst v63  }
.LBB2_5:
0xf2: {  	_ =	sfence.sel $0x180000  }
0xf3: {  	[bflag:$0x0] =	sbarrier.arrive $0xFFFF  }
0xf4: {  	_ =	strace $0x90000047  }
0xf5: {  	s0 =	stileid.u32;
	[bflag:$0x2] =	sbarrier.arrive $0xFFFF  }
0xf6: {  	p0 =	sne.s32 s0, $0x0;
	s0 =	rddreg [dreg:$0x2]  }
0xf7: {  	s0 =	sadd.s32 @!p0 $0x100000, s0  }
0xf8: {  	[sflag:s0] =	ssyncadd.tile.s32 @!p0 $0x1;
	_ =	shalt  }
.Lfunc_end2:
_tile_overlayer_lowered:
.L_overlay_start_2:
0xf9: {  	(tag) =	ssettag $0x2  }
0xfa: {  	s0 =	rddreg [dreg:$0x0];
	s2 =	stileid.u32  }
0xfb: {  	s1 =	rddreg [dreg:$0x1];
	p0 =	sne.s32 s2, $0x0  }
0xfc: {  	s3 =	rddreg [dreg:$0x2];
	[bflag:$0x3] =	sbarrier.arrive $0xFFFF;
	s2 =	simm.s32 @!p0 $0x1C09  }
0xfd: {  	[timem:s3], [sflag:s2] =	dma.local @!p0 [hbm:s0], s1  }
0xfe: {  	s0 =	simm.s32 @!p0 $0x9  }
0xff: {  	_ =	swait.ge @!p0 [sflag:s0], s1  }
0x100: {  	s1 =	ssub.s32 @!p0 $0x0, s1;
	[sflag:s0] =	ssyncset.done @!p0 $0x0  }
0x101: {  	[sflag:s0] =	ssyncadd.s32 @!p0 s1  }
0x102: {  	[bflag:$0x3] =	sbarrier.arrive $0xFFFF  }
0x103: {  	_ =	shalt  }

// kernel: sparse-core-data-format-call.cloned.1.call-start
scs
called_computation_lowered:
.L_overlay_start_0:
0x0: {  	s2 =	sld [smem:$0x3FD9]  }
0x1: {  	s3 =	sld [smem:$0x3FFE];
	_ =	sdelay $0x1  }
0x2: {  	s1 =	srdreg.scid  }
0x3: {  	s0 =	sand.u32 $0x1, s1  }
0x4: {  	s18 =	sshll.u32 s0, $0xA;
	s2 =	sadd.s32 s3, s2  }
0x5: {  	s2 =	sadd.s32 s2, s18  }
0x6: {  	[smem:$0x3FC6] =	sst s2  }
0x7: {  	_ = 	snop  }
0x8: {  	s2 =	sld [smem:$0x3FD0];
	(tm) =	ssettm $0x1  }
0x9: {  	s19 =	sld [smem:$0x3FFB];
	_ =	sdelay $0x3  }
0xa: {  	_ =	strace s19  }
0xb: {  	s3 =	sld [smem:$0x3FFC];
	_ =	sdelay $0x3  }
0xc: {  	_ =	strace s3  }
0xd: {  	s3 =	sld [smem:$0x3FFD];
	_ =	sdelay $0x3  }
0xe: {  	_ =	strace s3  }
0xf: {  	_ =	strace $0x8FFFFFFF  }
0x10: {  	s20 =	sld [smem:$0x3FDB];
	_ =	sdelay $0x1  }
0x11: {  	s4 =	simm.s32 $_scs_section_size  }
0x12: {  	s5 =	simm.s32 $_size__tile_overlayer_lowered;
	s6 =	simm.s32 $_tile_overlayer_lowered  }
0x13: {  	s23 =	simm.s32 $0x1BFF;
	s22 =	sshll.u32 s6, $0x1;
	s3 =	sadd.s32 s4, s20  }
0x14: {  	s7 =	simm.s32 $0x0;
	s21 =	sshll.u32 s5, $0x1;
	s5 =	sadd.s32 s22, s3  }
0x15: {  	[timem:s7], [sflag:s23] =	dma.local [hbm:s5], s21  }
0x16: {  	_ =	swait.ge [sflag:s23], s21  }
0x17: {  	s4 =	ssub.s32 $0x0, s21;
	[sflag:s23] =	ssyncset.done $0x0  }
0x18: {  	[sflag:s23] =	ssyncadd.s32 s4;
	_ =	sdelay $0x1  }
0x19: {  	s24 =	simm.s32 $0x1B8B  }
0x1a: {  	_ =	swait.ge [sflag:s24], $0x1  }
0x1b: {  	[sflag:s24] =	ssyncset.done $0x0  }
0x1c: {  	s26 =	simm.s32 $0x1B8E;
	s25 =	sld [smem:$0x3FFE];
	[sflag:s24] =	ssyncadd.s32 $0xFFFFFFFF  }
0x1d: {  	s27 =	simm.s32 $execute0_lowered;
	[smem:$0x3FD2] =	sst s26  }
0x1e: {  	s5 =	sshll.u32 s27, $0x1;
	_ =	strace $0x80000049;
	[dreg:$0x1] =	wrdreg $0xFFFFFFFF  }
0x1f: {  	s28 =	simm.s32 $_size_execute0_lowered;
	s3 =	sadd.s32 s3, s5;
	[dreg:$0x0] =	wrdreg $0x0  }
0x20: {  	s5 =	sshll.u32 s28, $0x1;
	[dreg:$0x2] =	wrdreg s3  }
0x21: {  	[dreg:$0x3] =	wrdreg s5  }
0x22: {  	[dreg:$0x4] =	wrdreg $0xC0  }
0x23: {  	_ =	task [dreg:s7], $0x5FFFF  }
0x24: {  	[dreg:$0x1] =	wrdreg $0xFFFFFFFF  }
0x25: {  	[dreg:$0x0] =	wrdreg $0x60  }
0x26: {  	[dreg:$0x2] =	wrdreg s25  }
0x27: {  	[dreg:$0x3] =	wrdreg s2  }
0x28: {  	[dreg:$0x4] =	wrdreg $0x9  }
0x29: {  	_ =	task.clear_ibuf [dreg:s7], $0x5FFFF;
	_ =	strace $0x90000049  }
0x2a: {  	s29 =	simm.s32 $0x9;
	_ =	strace $0x8000004B  }
0x2b: {  	_ =	swait.ge [sflag:s29], $0x1  }
0x2c: {  	[sflag:s29] =	ssyncadd.s32 $0xFFFFFFFF  }
0x2d: {  	_ =	strace $0x9000004B  }
0x2e: {  	_ =	sfence  }
0x2f: {  	s30 =	sld [smem:$0x0];
	_ =	sdelay $0x2  }
0x30: {  	s31 =	sshll.u32 s1, $0xD;
	s1 =	sshrl.u32 s1, $0x2  }
0x31: {  	s3 =	sand.u32 $0x4000, s31;
	s1 =	sadd.s32 s1, s30  }
0x32: {  	s0 =	sor.u32 s3, s0;
	s1 =	sshll.u32 s1, $0x11  }
0x33: {  	s0 =	sor.u32 s1, s0  }
0x34: {  	s0 =	sadd.s32 $0x8F2B, s0  }
0x35: {  	[sflag:s0] =	ssyncadd.remote.s32 $0x1  }
0x36: {  	_ =	sfence.sel $0xFFFF  }
0x37: {  	[dreg:$0x0] =	wrdreg $0xFFFFFFFF;
	(pc) =	sbr.abs _section_cstart, $3  }
0x38: {  	[dreg:$0x1] =	wrdreg $0xFFFFFFFF  }
0x39: {  	_ =	task.clear_ibuf [dreg:s7], $0x2FFFF;
	_ =	strace $0x9FFFFFFF  }
0x3a: {  	(tm) =	ssettm $0x7FFFFFFF  }
0x3b: {  	_ =	shalt  }
tec
execute0_lowered:
.L_overlay_start_1:
0x0: {  	(tag) =	ssettag $0x1  }
0x1: {  	s0 =	srdreg.scid  }
0x2: {  	s1 =	sshll.u32 s0, $0x4  }
0x3: {  	s0 =	stileid.u32;
	s1 =	sand.u32 $0x10, s1  }
0x4: {  	s1 =	sor.u32 s0, s1  }
0x5: {  	s6 =	rddreg [dreg:$0x0];
	s4 =	simm.s32 $0x1;
	s2 =	sshll.u32 s1, $0x7  }
0x6: {  	s7 =	simm.s32 $0x2;
	s12 =	simm.s32 $0x0;
	s1 =	ssub.s32 $0x1000, s2  }
0x7: {  	s8 =	simm.s32 $0x8000;
	s13 =	simm.s32 $0x0;
	s3 =	sand.u32 $0xF80, s1  }
0x8: {  	s9 =	simm.s32 $0x0;
	s5 =	sshrl.u32 s1, $0xC;
	p0 =	sne.s32 s3, $0x0  }
.Ltmp0:
0x9: {  	s1 =	rddreg [dreg:$0x2];
	s4 =	simm.s32 @!p0 $0x0;
	(pc) =	sbr.rel .LBB1_1-.Ltmp0, $4  }
0xa: {  	s11 =	simm.s32 $0x0;
	s3 =	rddreg [dreg:$0x1];
	s5 =	sadd.s32 s4, s5  }
0xb: {  	_ =	strace $0x8000004A;
	s4 =	simm.s32 $0x1;
	s5 =	smul.u32 $0xC8, s5  }
0xc: {  	s6 =	sadd.s32 $0xA00, s6;
	s10 =	smov.u32 s2;
	[sflag:s4] =	ssyncpa.u1 $0x0  }
0xd: {  	p0 =	por $0x0, $0x0;
	[sflag:s7] =	ssyncpa.u1 $0x0;
	s7 =	sor.u32 $0x1, s5  }
.LBB1_4:
0xe: {  	s16 =	sshll.u32 s13, $0x3;
	s17 =	sand.u32 $0x78, s13  }
0xf: {  	s30 =	sand.u32 $0x3E00, s13;
	s12 =	sshll.u32 s12, $0xE;
	s16 =	sand.u32 $0xC00, s16  }
0x10: {  	s31 =	sand.u32 $0x7, s13;
	s16 =	sor.u32 s17, s16;
	s17 =	sadd.s32 s3, s30  }
0x11: {  	s13 =	sshll.u32 s31, $0x12;
	s16 =	sshrl.u32 s16, $0x3;
	s12 =	sadd.s32 s12, s17  }
0x12: {  	[tilespmem:s15+$0x0 ss:$0x81] =	vst.msk $0xffff, v0;
	s13 =	sor.u32 $0x400, s13;
	s12 =	sadd.s32 s16, s12  }
0x13: {  	[hbm4b:s12+s13] =	stream.strided.scatter [tilespmem:s14], [sflag:$0x2], $0x1000, s8, s13, $0x20;
	[tilespmem:$0x4040] =	vst v63  }
.LBB1_5:
0x14: {  	s14 =	sadd.s32 $0x1, s9  }
0x15: {  	s12 =	sadd.s32 $0x1000, s10;
	s16 =	smov.u32 s10;
	p2 =	sgt.s32 s14, $0xC7  }
0x16: {  	s16 =	smov.u32 @p2 s12  }
0x17: {  	s14 =	simm.s32 @p2 $0x0;
	p2 =	sgt.s32 s16, $0xFFF  }
0x18: {  	s16 =	smov.u32 @p2 s2;
	p2 =	sne.s32 s11, s7  }
.Ltmp1:
0x19: {  	p1 =	slt.u32 s11, $0x2;
	(pc) =	sbr.rel @!p2 .LBB1_6-.Ltmp1, $4  }
0x1a: {  	s15 =	simm.s32 @!p1 $0x2  }
0x1b: {  	s13 =	smov.u32 s10;
	p0 =	por !p0, !p0;
	_ =	swait.ge @!p1 [sflag:s15], $0x1000  }
0x1c: {  	s12 =	smov.u32 s9;
	[sflag:s15] =	ssyncset.done @!p1 $0x0;
	s9 =	smov.u32 s14  }
0x1d: {  	s11 =	sadd.s32 $0x1, s11;
	[sflag:s15] =	ssyncadd.s32 @!p1 $0xFFFFF000;
	s10 =	smov.u32 s16  }
.LBB1_1:
0x1e: {  	p1 =	sge.u32 s11, s5  }
0x1f: {  	s14 =	sand.u32 @!p1 $0x1FFFFFF, s9  }
0x20: {  	s15 =	smulhi.u32 @!p1 $0x147AE15, s14;
	_ =	sdelay $0x1  }
0x21: {  	s15 =	smul.u32 @!p1 $0xC8, s15  }
0x22: {  	s16 =	sxor.u32 @!p1 $0xFFFFFFFF, s11;
	s17 =	smul.u32 @!p1 $0xC80, s10  }
0x23: {  	s31 =	sadd.s32 $0xFFFFFFFF, s11;
	s16 =	sshll.u32 @!p1 s16, $0xC;
	s14 =	ssub.s32 @!p1 s14, s15  }
0x24: {  	s15 =	sand.u32 @!p1 $0x1000, s16;
	s16 =	sadd.s32 @!p1 s6, s17;
	s14 =	sshll.u32 @!p1 s14, $0x4  }
0x25: {  	s17 =	simm.s32 @!p1 $0x6400;
	s14 =	sadd.s32 @!p1 s14, s16;
	s16 =	simm.s32 @!p1 $0x20  }
0x26: {  	[tilespmem:s15], [sflag:$0x1] =	stream.strided.gather @!p1 [hbm4b:s14+s16], $0x1000, s17, s16, $0x38;
	[tilespmem:$0x4040] =	vst v63  }
0x27: {  	p1 =	sge.u32 s31, s5  }
.Ltmp2:
0x28: {  	_ = 	snop;
	(pc) =	sbr.rel @p1 .LBB1_5-.Ltmp2, $1  }
0x29: {  	_ =	sdelay $0x3  }
0x2a: {  	s14 =	simm.s32 $0x1  }
0x2b: {  	_ =	swait.ge [sflag:s4], $0x1000;
	s14 =	simm.s32 @!p0 $0x0  }
0x2c: {  	[sflag:s4] =	ssyncset.done $0x0;
	s15 =	sshll.u32 s14, $0xC  }
0x2d: {  	[sflag:s4] =	ssyncadd.s32 $0xFFFFF000;
	s18 =	sor.u32 $0x10, s15  }
0x2e: {  	s14 =	smul.u32 $0x4080, s14;
	v1 =	vld [tilespmem:s18+$0x0]  }
0x2f: {  	s30 =	sand.u32 $0x1, s11;
	v0 =	vld [tilespmem:s18+$0xFFFFFFF0]  }
0x30: {  	s15 =	smul.u32 $0x4080, s30;
	s14 =	sshrl.u32 s14, $0x2  }
0x31: {  	s16 =	sor.u32 $0x2000, s14  }
0x32: {  	s31 =	sshrl.u32 s15, $0x2;
	s15 =	sadd.s32 $0x0, s16  }
0x33: {  	s17 =	simm.s32 $0x4;
	s18 =	sadd.s32 $0x20, s18;
	s14 =	sor.u32 $0x2000, s31;
	[tilespmem:s15+$0x810 ss:$0x81] =	vst.msk $0xffff, v1  }
.LBB1_3:
0x34: {  	v1 =	vld [tilespmem:s18+$0x0];
	p1 =	sne.s32 s17, $0x1FC;
	[tilespmem:s15+$0x0 ss:$0x81] =	vst.msk $0xffff, v0;
	s15 =	smov.u32 s17;
	s17 =	sadd.s32 $0x4, s17  }
.Ltmp3:
0x35: {  	v0 =	vld [tilespmem:s18+$0xFFFFFFF0];
	(pc) =	sbr.rel @p1 .LBB1_3-.Ltmp3, $4  }
0x36: {  	_ = 	snop  }
0x37: {  	s15 =	sshra.s32 s15, $0x2  }
0x38: {  	s15 =	sadd.s32 s15, s16  }
0x39: {  	s18 =	sadd.s32 $0x20, s18;
	[tilespmem:s15+$0x810 ss:$0x81] =	vst.msk $0xffff, v1  }
.Ltmp4:
0x3a: {  	_ = 	snop;
	(pc) =	sbr.rel .LBB1_4-.Ltmp4, $1  }
0x3b: {  	_ =	sdelay $0x3  }
.LBB1_6:
0x3c: {  	_ =	sfence.sel $0x180000  }
0x3d: {  	s2 =	simm.s32 $0x1;
	[bflag:$0x0] =	sbarrier.arrive $0xFFFF  }
0x3e: {  	s31 =	simm.s32 $0x2;
	[sflag:s2] =	ssyncpa.u1 $0x1  }
0x3f: {  	[sflag:s31] =	ssyncpa.u1 $0x1  }
0x40: {  	p0 =	sne.s32 s0, $0x0;
	_ =	strace $0x9000004A  }
0x41: {  	s0 =	sadd.s32 @!p0 $0x100000, s1;
	[bflag:$0x2] =	sbarrier.arrive $0xFFFF  }
0x42: {  	[sflag:s0] =	ssyncadd.tile.s32 @!p0 $0x1;
	_ =	shalt  }
.Lfunc_end1:
_tile_overlayer_lowered:
.L_overlay_start_2:
0x43: {  	(tag) =	ssettag $0x2  }
0x44: {  	s0 =	rddreg [dreg:$0x0];
	s2 =	stileid.u32  }
0x45: {  	s1 =	rddreg [dreg:$0x1];
	p0 =	sne.s32 s2, $0x0  }
0x46: {  	s3 =	rddreg [dreg:$0x2];
	[bflag:$0x3] =	sbarrier.arrive $0xFFFF;
	s2 =	simm.s32 @!p0 $0x1C01  }
0x47: {  	[timem:s3], [sflag:s2] =	dma.local @!p0 [hbm:s0], s1  }
0x48: {  	s0 =	simm.s32 @!p0 $0x1  }
0x49: {  	_ =	swait.ge @!p0 [sflag:s0], s1  }
0x4a: {  	s1 =	ssub.s32 @!p0 $0x0, s1;
	[sflag:s0] =	ssyncset.done @!p0 $0x0  }
0x4b: {  	[sflag:s0] =	ssyncadd.s32 @!p0 s1  }
0x4c: {  	[bflag:$0x3] =	sbarrier.arrive $0xFFFF  }
0x4d: {  	_ =	shalt  }

</sc_bundles>
